<compile_context>
chip_gen: v7x
topology: tpu7x:2x2x1
jax: 0.10.2.dev20260603
libtpu: 0.0.44.dev20260713+nightly
codegen_flags: <defaults>
</compile_context>

<pallas_src>
import functools
import math

import jax
import jax.numpy as jnp
from jax import lax
from jax.experimental import pallas as pl
from jax.experimental.pallas import tpu as pltpu
from jax.experimental.pallas import tpu_sc as plsc

NU = 1024
NI = 4096
NP = 64
K = 20
DELTA = 1e-8
UBLK = 256

_DISCOUNTS = [1.0 / math.log2(r + 2) for r in range(K)]


def _topk_fair_body(scores_ref, rating_ref, expo_ref, recip_ref,
                    rmean_ref, rsum_ref):
    i = pl.program_id(0)
    scores = scores_ref[...]
    rating = rating_ref[...]
    seen = rating > 0.0
    masked = jnp.where(seen, jnp.float32(-1e10), scores)
    hist = jnp.sum(seen.astype(jnp.float32), axis=1, keepdims=True)
    recip = 1.0 / jnp.maximum(hist, 1.0)
    recip_ref[...] = recip

    @pl.when(i == 0)
    def _():
        rsum_ref[0] = 0.0

    rsum_ref[0] += jnp.sum(recip)

    iota_f = jax.lax.broadcasted_iota(jnp.int32, (UBLK, NI), 1).astype(
        jnp.float32)
    for r in range(K):
        m = jnp.max(masked, axis=1, keepdims=True)
        cand = jnp.where(masked == m, iota_f, jnp.float32(NI))
        idxf = jnp.min(cand, axis=1, keepdims=True)
        sel = cand == idxf
        masked = jnp.where(sel, jnp.float32(-(_DISCOUNTS[r] * 2.0**100)),
                           masked)
    dacc = jnp.where(masked <= -1e20, masked * jnp.float32(-(2.0**-100)),
                     0.0)
    expo = jnp.sum(dacc, axis=0, keepdims=True)

    @pl.when(i == 0)
    def _():
        expo_ref[...] = expo

    @pl.when(i != 0)
    def _():
        expo_ref[...] += expo

    @pl.when(i == pl.num_programs(0) - 1)
    def _():
        rmean_ref[...] = jnp.full((1, 1), 1.0 / NU, jnp.float32) * rsum_ref[0]


def _mm(a, b):
    return jax.lax.dot_general(a, b, (((1,), (0,)), ((), ())),
                               preferred_element_type=jnp.float32)


def _sc_fair_body(expo_hbm, pid_hbm, ipw_hbm, pid_v, expo_v, pe_v, cnt_v,
                  ipw_v):
    wid = lax.axis_index("s") * 2 + lax.axis_index("c")

    @pl.when(wid == 0)
    def _():
        pltpu.sync_copy(pid_hbm, pid_v)
        pltpu.sync_copy(expo_hbm, expo_v)
        for k in range(NP // 16):
            pe_v[pl.ds(k * 16, 16)] = jnp.zeros((16,), jnp.float32)
            cnt_v[pl.ds(k * 16, 16)] = jnp.zeros((16,), jnp.float32)

        def hist_body(k, carry):
            idx = pid_v[pl.ds(k * 16, 16)]
            e = expo_v[pl.ds(k * 16, 16)]
            plsc.addupdate_scatter(pe_v, [idx], e)
            plsc.addupdate_scatter(cnt_v, [idx],
                                   jnp.full((16,), 1.0, jnp.float32))
            return carry

        lax.fori_loop(0, NI // 16, hist_body, 0)

        ones = jnp.full((16,), 1.0, jnp.float32)
        acc = jnp.zeros((16,), jnp.float32)
        for k in range(NP // 16):
            pe = pe_v[pl.ds(k * 16, 16)]
            cnt = cnt_v[pl.ds(k * 16, 16)]
            pf = ones / jnp.maximum(pe / jnp.maximum(cnt, ones) + DELTA,
                                    DELTA)
            pe_v[pl.ds(k * 16, 16)] = pf
            acc = acc + pf
        pf_mean = jnp.broadcast_to(jnp.sum(acc), (16,)) * (1.0 / NP)
        acc2 = jnp.zeros((16,), jnp.float32)
        for k in range(NP // 16):
            pf_n = pe_v[pl.ds(k * 16, 16)] / pf_mean
            pe_v[pl.ds(k * 16, 16)] = pf_n
            acc2 = acc2 + pf_n * cnt_v[pl.ds(k * 16, 16)]
        ipw_mean = jnp.broadcast_to(jnp.sum(acc2), (16,)) * (1.0 / NI)
        inv = ones / ipw_mean

        def gather_body(k, carry):
            idx = pid_v[pl.ds(k * 16, 16)]
            w = plsc.load_gather(pe_v, [idx])
            ipw_v[pl.ds(k * 16, 16)] = w * inv
            return carry

        lax.fori_loop(0, NI // 16, gather_body, 0)
        pltpu.sync_copy(ipw_v, ipw_hbm)


_sc_fair = functools.partial(
    pl.kernel,
    mesh=plsc.VectorSubcoreMesh(core_axis_name="c", subcore_axis_name="s"),
    out_type=jax.ShapeDtypeStruct((NI,), jnp.float32),
    compiler_params=pltpu.CompilerParams(needs_layout_passes=False),
    scratch_types=[
        pltpu.VMEM((NI,), jnp.int32),
        pltpu.VMEM((NI,), jnp.float32),
        pltpu.VMEM((NP,), jnp.float32),
        pltpu.VMEM((NP,), jnp.float32),
        pltpu.VMEM((NI,), jnp.float32),
    ],
)(_sc_fair_body)


def _mlp_loss_body(x_ref, eW1_ref, eb1_ref, eW2_ref, eb2_ref, eW3_ref,
                   eb3_ref, pW1_ref, pb1_ref, pW2_ref, pb2_ref, uW1_ref,
                   ub1_ref, uW2_ref, ub2_ref, ipw_ref, recip_ref, rmean_ref,
                   loss_ref, uf_ref):
    i = pl.program_id(0)
    relu = jax.nn.relu
    x = x_ref[...]
    uf = recip_ref[...] / rmean_ref[0, 0]
    uf_ref[...] = uf
    h1 = relu(_mm(x, eW1_ref[...]) + eb1_ref[...])
    h2 = relu(_mm(h1, eW2_ref[...]) + eb2_ref[...])
    h_enc = (_mm(h2, eW3_ref[...]) + eb3_ref[...]) * x

    pW1, pb1, pW2, pb2 = pW1_ref[...], pb1_ref[...], pW2_ref[...], pb2_ref[...]
    uW1, ub1, uW2, ub2 = uW1_ref[...], ub1_ref[...], uW2_ref[...], ub2_ref[...]

    h_p = _mm(relu(_mm(h_enc, pW1) + pb1), pW2) + pb2
    t_p = _mm(relu(_mm(ipw_ref[...] * x, pW1) + pb1), pW2) + pb2
    h_u = _mm(relu(_mm(h_enc, uW1) + ub1), uW2) + ub2
    t_u = _mm(relu(_mm(uf * x, uW1) + ub1), uW2) + ub2

    blk = (jnp.sum((h_p - t_p) ** 2) + jnp.sum((h_u - t_u) ** 2)) / (NU * NI)
    blk = jnp.full((1, 1), 1.0, jnp.float32) * blk

    @pl.when(i == 0)
    def _():
        loss_ref[...] = blk

    @pl.when(i != 0)
    def _():
        loss_ref[...] += blk


def kernel(scores, rating_matrix, eW1, eb1, eW2, eb2, eW3, eb3, pW1, pb1,
           pW2, pb2, uW1, ub1, uW2, ub2, provider_ids):
    nblk = NU // UBLK
    expo, recip, rmean = pl.pallas_call(
        _topk_fair_body,
        grid=(nblk,),
        in_specs=[
            pl.BlockSpec((UBLK, NI), lambda i: (i, 0)),
            pl.BlockSpec((UBLK, NI), lambda i: (i, 0)),
        ],
        out_specs=[
            pl.BlockSpec((1, NI), lambda i: (0, 0)),
            pl.BlockSpec((UBLK, 1), lambda i: (i, 0)),
            pl.BlockSpec((1, 1), lambda i: (0, 0)),
        ],
        out_shape=[
            jax.ShapeDtypeStruct((1, NI), jnp.float32),
            jax.ShapeDtypeStruct((NU, 1), jnp.float32),
            jax.ShapeDtypeStruct((1, 1), jnp.float32),
        ],
        scratch_shapes=[pltpu.SMEM((1,), jnp.float32)],
    )(scores, rating_matrix)

    ipw_flat = _sc_fair(expo.reshape(NI), provider_ids.astype(jnp.int32))
    ipw = ipw_flat.reshape(1, NI)

    full = lambda shape: pl.BlockSpec(shape, lambda i: (0,) * len(shape))
    loss, uf = pl.pallas_call(
        _mlp_loss_body,
        grid=(nblk,),
        in_specs=[
            pl.BlockSpec((UBLK, NI), lambda i: (i, 0)),
            full((NI, 256)), full((1, 256)),
            full((256, 128)), full((1, 128)),
            full((128, NI)), full((1, NI)),
            full((NI, 128)), full((1, 128)),
            full((128, NI)), full((1, NI)),
            full((NI, 128)), full((1, 128)),
            full((128, NI)), full((1, NI)),
            full((1, NI)),
            pl.BlockSpec((UBLK, 1), lambda i: (i, 0)),
            full((1, 1)),
        ],
        out_specs=[
            pl.BlockSpec((1, 1), lambda i: (0, 0)),
            pl.BlockSpec((UBLK, 1), lambda i: (i, 0)),
        ],
        out_shape=[
            jax.ShapeDtypeStruct((1, 1), jnp.float32),
            jax.ShapeDtypeStruct((NU, 1), jnp.float32),
        ],
    )(rating_matrix, eW1, eb1.reshape(1, -1), eW2, eb2.reshape(1, -1),
      eW3, eb3.reshape(1, -1), pW1, pb1.reshape(1, -1), pW2,
      pb2.reshape(1, -1), uW1, ub1.reshape(1, -1), uW2, ub2.reshape(1, -1),
      ipw, recip, rmean)

    return (loss.reshape(()), ipw.reshape(NI), uf.reshape(NU),
            expo.reshape(NI))

# --- scband reference (transcript-rebuilt; emitter-appended) ---
"""Pipeline reference for scband-ada2-fair-model-78108275245341 (READ-ONLY COPY).

The authoritative reference and input builder live on the scoring server;
editing this copy changes nothing except your own understanding.
"""

import jax, jax.numpy as jnp
import numpy as np

NUM_USERS = 1024
NUM_ITEMS = 4096
NUM_PROVIDERS = 64
TOPK = 20
DELTA = 1e-08
ETA = 1.0

def _linear(key, din, dout):
    kW, kb = jax.random.split(key)
    W = jax.random.normal(kW, (din, dout), dtype=jnp.float32) * (1.0 / np.sqrt(din))
    b = jnp.zeros((dout,), dtype=jnp.float32)
    return W, b

def setup_inputs(seed: int = 0) -> dict:
    key = jax.random.key(seed)
    ks = jax.random.split(key, 12)
    scores = jax.random.normal(ks[0], (NUM_USERS, NUM_ITEMS), dtype=jnp.float32)
    mask = jax.random.uniform(ks[1], (NUM_USERS, NUM_ITEMS)) < 0.05
    vals = jax.random.uniform(ks[2], (NUM_USERS, NUM_ITEMS), minval=0.5, maxval=5.0)
    rating_matrix = jnp.where(mask, vals, 0.0).astype(jnp.float32)
    provider_ids = jax.random.randint(ks[3], (NUM_ITEMS,), 0, NUM_PROVIDERS)
    eW1, eb1 = _linear(ks[4], NUM_ITEMS, 256)
    eW2, eb2 = _linear(ks[5], 256, 128)
    eW3, eb3 = _linear(ks[6], 128, NUM_ITEMS)
    pW1, pb1 = _linear(ks[7], NUM_ITEMS, 128)
    pW2, pb2 = _linear(ks[8], 128, NUM_ITEMS)
    uW1, ub1 = _linear(ks[9], NUM_ITEMS, 128)
    uW2, ub2 = _linear(ks[10], 128, NUM_ITEMS)
    return {"scores": scores, "rating_matrix": rating_matrix,
            "eW1": eW1, "eb1": eb1, "eW2": eW2, "eb2": eb2, "eW3": eW3, "eb3": eb3,
            "pW1": pW1, "pb1": pb1, "pW2": pW2, "pb2": pb2,
            "uW1": uW1, "ub1": ub1, "uW2": uW2, "ub2": ub2,
            "provider_ids": provider_ids}

def reference(scores, rating_matrix, eW1, eb1, eW2, eb2, eW3, eb3,
              pW1, pb1, pW2, pb2, uW1, ub1, uW2, ub2, provider_ids):
    # --- update_fairness_targets: mask seen items, top-k, exposure scatter-add ---
    seen = rating_matrix > 0
    masked = jnp.where(seen, jnp.float32(-1e10), scores)
    topk_scores, topk_items = jax.lax.top_k(masked, TOPK)
    discounts = 1.0 / jnp.log2(jnp.arange(2, TOPK + 2, dtype=jnp.float32))
    disc_full = jnp.broadcast_to(discounts[None, :], (NUM_USERS, TOPK)).reshape(-1)
    flat_items = topk_items.reshape(-1)
    item_exposure = jnp.zeros(NUM_ITEMS, dtype=jnp.float32).at[flat_items].add(disc_full)
    provider_exposure = jnp.zeros(NUM_PROVIDERS, dtype=jnp.float32).at[provider_ids[flat_items]].add(disc_full)
    provider_item_count = jnp.bincount(provider_ids, length=NUM_PROVIDERS).astype(jnp.float32)
    provider_avg = provider_exposure / jnp.clip(provider_item_count, 1.0, None)
    provider_fairness = jnp.power(jnp.clip(provider_avg + DELTA, DELTA, None), -ETA)
    provider_fairness = provider_fairness / provider_fairness.mean()
    item_provider_weight = provider_fairness[provider_ids]
    item_provider_weight = item_provider_weight / item_provider_weight.mean()
    user_hist_len = jnp.maximum(seen.sum(axis=1).astype(jnp.float32), 1.0)
    user_fairness = 1.0 / user_hist_len
    user_fairness = user_fairness / user_fairness.mean()
    # --- weight_loss (stage I): encoder + two decoders ---
    def enc(x):
        h = jax.nn.relu(x @ eW1 + eb1)
        h = jax.nn.relu(h @ eW2 + eb2)
        return h @ eW3 + eb3
    def dec_p(x):
        h = jax.nn.relu(x @ pW1 + pb1)
        return h @ pW2 + pb2
    def dec_u(x):
        h = jax.nn.relu(x @ uW1 + ub1)
        return h @ uW2 + ub2
    h_encode = enc(rating_matrix) * rating_matrix
    h_p = dec_p(h_encode)
    h_u = dec_u(h_encode)
    target_p = dec_p(item_provider_weight[None, :] * rating_matrix)
    target_u = dec_u(user_fairness[:, None] * rating_matrix)
    loss_pfair = jnp.mean((h_p - target_p) ** 2)
    loss_ufair = jnp.mean((h_u - target_u) ** 2)
    loss = loss_pfair + loss_ufair
    return (loss, item_provider_weight, user_fairness, item_exposure)

if __name__ == "__main__":
    import jax
    _d = setup_inputs()
    print(jax.jit(kernel)(*tuple(_d.values())))

</pallas_src>

<mosaic_0001>
#map = affine_map<(d0, d1) -> (0)>
module attributes {stable_mosaic.version = 14 : i64} {
  func.func @_sc_fair_body(%arg0: i32, %arg1: i32, %arg2: memref<4096xf32, #tpu.memory_space<hbm>>, %arg3: memref<4096xi32, #tpu.memory_space<hbm>>, %arg4: memref<4096xf32, #tpu.memory_space<hbm>>, %arg5: memref<4096xi32, #tpu.memory_space<vmem>>, %arg6: memref<4096xf32, #tpu.memory_space<vmem>>, %arg7: memref<64xf32, #tpu.memory_space<vmem>>, %arg8: memref<64xf32, #tpu.memory_space<vmem>>, %arg9: memref<4096xf32, #tpu.memory_space<vmem>>) attributes {dimension_semantics = [#tpu.dimension_semantics<core_parallel>, #tpu.dimension_semantics<subcore_parallel>], iteration_bounds = array<i64: 2, 16>, scalar_prefetch = 0 : i64, scratch_operands = 5 : i64, tpu.core_type = #tpu.core_type<sc_vector_subcore>, window_params = [{transform_indices = #map}, {transform_indices = #map}, {transform_indices = #map}]} {
    %mul3A = arith.constant 2 : i32
    %mul3A_0 = arith.muli %arg1, %mul3A : i32
    %add3A = arith.addi %mul3A_0, %arg0 : i32
    %eq3A = arith.constant 0 : i32
    %eq3A_1 = arith.cmpi eq, %add3A, %eq3A : i32
    %convert_element_type3A = arith.extui %eq3A_1 : i1 to i32
    %cond3A = arith.constant 0 : i32
    %cond3A_2 = arith.cmpi ne, %convert_element_type3A, %cond3A : i32
    scf.if %cond3A_2 {
      "tpu.region"() ({
        %run_scoped3A = tpu.sem_alloc : memref<!tpu.dma_semaphore, #tpu.memory_space<semaphore_mem>>
        tpu.enqueue_dma source(%arg3 : memref<4096xi32, #tpu.memory_space<hbm>>) target(%arg5 : memref<4096xi32, #tpu.memory_space<vmem>>) target_semaphore(%run_scoped3A : memref<!tpu.dma_semaphore, #tpu.memory_space<semaphore_mem>>)
        tpu.wait_dma2 semaphore(%run_scoped3A : memref<!tpu.dma_semaphore, #tpu.memory_space<semaphore_mem>>) src(%arg3 : memref<4096xi32, #tpu.memory_space<hbm>>) dst(%arg5 : memref<4096xi32, #tpu.memory_space<vmem>>)
        tpu.yield
      }) : () -> ()
      "tpu.region"() ({
        %run_scoped3A = tpu.sem_alloc : memref<!tpu.dma_semaphore, #tpu.memory_space<semaphore_mem>>
        tpu.enqueue_dma source(%arg2 : memref<4096xf32, #tpu.memory_space<hbm>>) target(%arg6 : memref<4096xf32, #tpu.memory_space<vmem>>) target_semaphore(%run_scoped3A : memref<!tpu.dma_semaphore, #tpu.memory_space<semaphore_mem>>)
        tpu.wait_dma2 semaphore(%run_scoped3A : memref<!tpu.dma_semaphore, #tpu.memory_space<semaphore_mem>>) src(%arg2 : memref<4096xf32, #tpu.memory_space<hbm>>) dst(%arg6 : memref<4096xf32, #tpu.memory_space<vmem>>)
        tpu.yield
      }) : () -> ()
      %broadcast_in_dim3A = arith.constant 0.000000e+00 : f32
      %broadcast_in_dim3A_3 = vector.broadcast %broadcast_in_dim3A : f32 to vector<16xf32>
      %swap3A = arith.constant 0 : index
      %swap3A_4 = tpu.vector_load %arg7[%swap3A] {strides = array<i32>} : memref<64xf32, #tpu.memory_space<vmem>>, vector<16xf32>,
      tpu.vector_store %arg7[%swap3A], %broadcast_in_dim3A_3 {strides = array<i32>} : memref<64xf32, #tpu.memory_space<vmem>>, vector<16xf32>,
      %broadcast_in_dim3A_5 = arith.constant 0.000000e+00 : f32
      %broadcast_in_dim3A_6 = vector.broadcast %broadcast_in_dim3A_5 : f32 to vector<16xf32>
      %swap3A_7 = arith.constant 0 : index
      %swap3A_8 = tpu.vector_load %arg8[%swap3A_7] {strides = array<i32>} : memref<64xf32, #tpu.memory_space<vmem>>, vector<16xf32>,
      tpu.vector_store %arg8[%swap3A_7], %broadcast_in_dim3A_6 {strides = array<i32>} : memref<64xf32, #tpu.memory_space<vmem>>, vector<16xf32>,
      %broadcast_in_dim3A_9 = arith.constant 0.000000e+00 : f32
      %broadcast_in_dim3A_10 = vector.broadcast %broadcast_in_dim3A_9 : f32 to vector<16xf32>
      %swap3A_11 = arith.constant 16 : index
      %swap3A_12 = tpu.vector_load %arg7[%swap3A_11] {strides = array<i32>} : memref<64xf32, #tpu.memory_space<vmem>>, vector<16xf32>,
      tpu.vector_store %arg7[%swap3A_11], %broadcast_in_dim3A_10 {strides = array<i32>} : memref<64xf32, #tpu.memory_space<vmem>>, vector<16xf32>,
      %broadcast_in_dim3A_13 = arith.constant 0.000000e+00 : f32
      %broadcast_in_dim3A_14 = vector.broadcast %broadcast_in_dim3A_13 : f32 to vector<16xf32>
      %swap3A_15 = arith.constant 16 : index
      %swap3A_16 = tpu.vector_load %arg8[%swap3A_15] {strides = array<i32>} : memref<64xf32, #tpu.memory_space<vmem>>, vector<16xf32>,
      tpu.vector_store %arg8[%swap3A_15], %broadcast_in_dim3A_14 {strides = array<i32>} : memref<64xf32, #tpu.memory_space<vmem>>, vector<16xf32>,
      %broadcast_in_dim3A_17 = arith.constant 0.000000e+00 : f32
      %broadcast_in_dim3A_18 = vector.broadcast %broadcast_in_dim3A_17 : f32 to vector<16xf32>
      %swap3A_19 = arith.constant 32 : index
      %swap3A_20 = tpu.vector_load %arg7[%swap3A_19] {strides = array<i32>} : memref<64xf32, #tpu.memory_space<vmem>>, vector<16xf32>,
      tpu.vector_store %arg7[%swap3A_19], %broadcast_in_dim3A_18 {strides = array<i32>} : memref<64xf32, #tpu.memory_space<vmem>>, vector<16xf32>,
      %broadcast_in_dim3A_21 = arith.constant 0.000000e+00 : f32
      %broadcast_in_dim3A_22 = vector.broadcast %broadcast_in_dim3A_21 : f32 to vector<16xf32>
      %swap3A_23 = arith.constant 32 : index
      %swap3A_24 = tpu.vector_load %arg8[%swap3A_23] {strides = array<i32>} : memref<64xf32, #tpu.memory_space<vmem>>, vector<16xf32>,
      tpu.vector_store %arg8[%swap3A_23], %broadcast_in_dim3A_22 {strides = array<i32>} : memref<64xf32, #tpu.memory_space<vmem>>, vector<16xf32>,
      %broadcast_in_dim3A_25 = arith.constant 0.000000e+00 : f32
      %broadcast_in_dim3A_26 = vector.broadcast %broadcast_in_dim3A_25 : f32 to vector<16xf32>
      %swap3A_27 = arith.constant 48 : index
      %swap3A_28 = tpu.vector_load %arg7[%swap3A_27] {strides = array<i32>} : memref<64xf32, #tpu.memory_space<vmem>>, vector<16xf32>,
      tpu.vector_store %arg7[%swap3A_27], %broadcast_in_dim3A_26 {strides = array<i32>} : memref<64xf32, #tpu.memory_space<vmem>>, vector<16xf32>,
      %broadcast_in_dim3A_29 = arith.constant 0.000000e+00 : f32
      %broadcast_in_dim3A_30 = vector.broadcast %broadcast_in_dim3A_29 : f32 to vector<16xf32>
      %swap3A_31 = arith.constant 48 : index
      %swap3A_32 = tpu.vector_load %arg8[%swap3A_31] {strides = array<i32>} : memref<64xf32, #tpu.memory_space<vmem>>, vector<16xf32>,
      tpu.vector_store %arg8[%swap3A_31], %broadcast_in_dim3A_30 {strides = array<i32>} : memref<64xf32, #tpu.memory_space<vmem>>, vector<16xf32>,
      %scan3A = arith.constant 0 : i32
      %scan3A_33 = arith.constant 0 : i32
      %scan3A_34 = arith.constant 256 : i32
      %scan3A_35 = arith.addi %scan3A_33, %scan3A_34 : i32
      %scan3A_36 = arith.constant 1 : i32
      scf.for %scan3A_163 = %scan3A_33 to %scan3A_35 step %scan3A_36  : i32 {
        %mul3A_164 = arith.constant 16 : i32
        %mul3A_165 = arith.muli %scan3A_163, %mul3A_164 : i32
        %get3A_166 = arith.index_cast %mul3A_165 : i32 to index
        %get3A_167 = tpu.vector_load %arg5[%get3A_166] {strides = array<i32>} : memref<4096xi32, #tpu.memory_space<vmem>>, vector<16xi32>,
        %mul3A_168 = arith.constant 16 : i32
        %mul3A_169 = arith.muli %scan3A_163, %mul3A_168 : i32
        %get3A_170 = arith.index_cast %mul3A_169 : i32 to index
        %get3A_171 = tpu.vector_load %arg6[%get3A_170] {strides = array<i32>} : memref<4096xf32, #tpu.memory_space<vmem>>, vector<16xf32>,
        tpu.vector_store_idx %arg7[%get3A_167], %get3A_171 {add = true} : memref<64xf32, #tpu.memory_space<vmem>>[vector<16xi32>], vector<16xf32>,
        %broadcast_in_dim3A_172 = arith.constant 1.000000e+00 : f32
        %broadcast_in_dim3A_173 = vector.broadcast %broadcast_in_dim3A_172 : f32 to vector<16xf32>
        tpu.vector_store_idx %arg8[%get3A_167], %broadcast_in_dim3A_173 {add = true} : memref<64xf32, #tpu.memory_space<vmem>>[vector<16xi32>], vector<16xf32>,
      }
      %scan3A_37 = arith.constant 256 : i32
      %broadcast_in_dim3A_38 = arith.constant 1.000000e+00 : f32
      %broadcast_in_dim3A_39 = vector.broadcast %broadcast_in_dim3A_38 : f32 to vector<16xf32>
      %broadcast_in_dim3A_40 = arith.constant 0.000000e+00 : f32
      %broadcast_in_dim3A_41 = vector.broadcast %broadcast_in_dim3A_40 : f32 to vector<16xf32>
      %get3A = arith.constant 0 : index
      %get3A_42 = tpu.vector_load %arg7[%get3A] {strides = array<i32>} : memref<64xf32, #tpu.memory_space<vmem>>, vector<16xf32>,
      %get3A_43 = arith.constant 0 : index
      %get3A_44 = tpu.vector_load %arg8[%get3A_43] {strides = array<i32>} : memref<64xf32, #tpu.memory_space<vmem>>, vector<16xf32>,
      %max3A = arith.maximumf %get3A_44, %broadcast_in_dim3A_39 : vector<16xf32>
      %div3A = arith.divf %get3A_42, %max3A : vector<16xf32>
      %add3A_45 = arith.constant 9.99999993E-9 : f32
      %add3A_46 = vector.broadcast %add3A_45 : f32 to vector<16xf32>
      %add3A_47 = arith.addf %div3A, %add3A_46 : vector<16xf32>
      %max3A_48 = arith.constant 9.99999993E-9 : f32
      %max3A_49 = vector.broadcast %max3A_48 : f32 to vector<16xf32>
      %max3A_50 = arith.maximumf %add3A_47, %max3A_49 : vector<16xf32>
      %div3A_51 = arith.divf %broadcast_in_dim3A_39, %max3A_50 : vector<16xf32>
      %swap3A_52 = arith.constant 0 : index
      %swap3A_53 = tpu.vector_load %arg7[%swap3A_52] {strides = array<i32>} : memref<64xf32, #tpu.memory_space<vmem>>, vector<16xf32>,
      tpu.vector_store %arg7[%swap3A_52], %div3A_51 {strides = array<i32>} : memref<64xf32, #tpu.memory_space<vmem>>, vector<16xf32>,
      %add3A_54 = arith.addf %broadcast_in_dim3A_41, %div3A_51 : vector<16xf32>
      %get3A_55 = arith.constant 16 : index
      %get3A_56 = tpu.vector_load %arg7[%get3A_55] {strides = array<i32>} : memref<64xf32, #tpu.memory_space<vmem>>, vector<16xf32>,
      %get3A_57 = arith.constant 16 : index
      %get3A_58 = tpu.vector_load %arg8[%get3A_57] {strides = array<i32>} : memref<64xf32, #tpu.memory_space<vmem>>, vector<16xf32>,
      %max3A_59 = arith.maximumf %get3A_58, %broadcast_in_dim3A_39 : vector<16xf32>
      %div3A_60 = arith.divf %get3A_56, %max3A_59 : vector<16xf32>
      %add3A_61 = arith.constant 9.99999993E-9 : f32
      %add3A_62 = vector.broadcast %add3A_61 : f32 to vector<16xf32>
      %add3A_63 = arith.addf %div3A_60, %add3A_62 : vector<16xf32>
      %max3A_64 = arith.constant 9.99999993E-9 : f32
      %max3A_65 = vector.broadcast %max3A_64 : f32 to vector<16xf32>
      %max3A_66 = arith.maximumf %add3A_63, %max3A_65 : vector<16xf32>
      %div3A_67 = arith.divf %broadcast_in_dim3A_39, %max3A_66 : vector<16xf32>
      %swap3A_68 = arith.constant 16 : index
      %swap3A_69 = tpu.vector_load %arg7[%swap3A_68] {strides = array<i32>} : memref<64xf32, #tpu.memory_space<vmem>>, vector<16xf32>,
      tpu.vector_store %arg7[%swap3A_68], %div3A_67 {strides = array<i32>} : memref<64xf32, #tpu.memory_space<vmem>>, vector<16xf32>,
      %add3A_70 = arith.addf %add3A_54, %div3A_67 : vector<16xf32>
      %get3A_71 = arith.constant 32 : index
      %get3A_72 = tpu.vector_load %arg7[%get3A_71] {strides = array<i32>} : memref<64xf32, #tpu.memory_space<vmem>>, vector<16xf32>,
      %get3A_73 = arith.constant 32 : index
      %get3A_74 = tpu.vector_load %arg8[%get3A_73] {strides = array<i32>} : memref<64xf32, #tpu.memory_space<vmem>>, vector<16xf32>,
      %max3A_75 = arith.maximumf %get3A_74, %broadcast_in_dim3A_39 : vector<16xf32>
      %div3A_76 = arith.divf %get3A_72, %max3A_75 : vector<16xf32>
      %add3A_77 = arith.constant 9.99999993E-9 : f32
      %add3A_78 = vector.broadcast %add3A_77 : f32 to vector<16xf32>
      %add3A_79 = arith.addf %div3A_76, %add3A_78 : vector<16xf32>
      %max3A_80 = arith.constant 9.99999993E-9 : f32
      %max3A_81 = vector.broadcast %max3A_80 : f32 to vector<16xf32>
      %max3A_82 = arith.maximumf %add3A_79, %max3A_81 : vector<16xf32>
      %div3A_83 = arith.divf %broadcast_in_dim3A_39, %max3A_82 : vector<16xf32>
      %swap3A_84 = arith.constant 32 : index
      %swap3A_85 = tpu.vector_load %arg7[%swap3A_84] {strides = array<i32>} : memref<64xf32, #tpu.memory_space<vmem>>, vector<16xf32>,
      tpu.vector_store %arg7[%swap3A_84], %div3A_83 {strides = array<i32>} : memref<64xf32, #tpu.memory_space<vmem>>, vector<16xf32>,
      %add3A_86 = arith.addf %add3A_70, %div3A_83 : vector<16xf32>
      %get3A_87 = arith.constant 48 : index
      %get3A_88 = tpu.vector_load %arg7[%get3A_87] {strides = array<i32>} : memref<64xf32, #tpu.memory_space<vmem>>, vector<16xf32>,
      %get3A_89 = arith.constant 48 : index
      %get3A_90 = tpu.vector_load %arg8[%get3A_89] {strides = array<i32>} : memref<64xf32, #tpu.memory_space<vmem>>, vector<16xf32>,
      %max3A_91 = arith.maximumf %get3A_90, %broadcast_in_dim3A_39 : vector<16xf32>
      %div3A_92 = arith.divf %get3A_88, %max3A_91 : vector<16xf32>
      %add3A_93 = arith.constant 9.99999993E-9 : f32
      %add3A_94 = vector.broadcast %add3A_93 : f32 to vector<16xf32>
      %add3A_95 = arith.addf %div3A_92, %add3A_94 : vector<16xf32>
      %max3A_96 = arith.constant 9.99999993E-9 : f32
      %max3A_97 = vector.broadcast %max3A_96 : f32 to vector<16xf32>
      %max3A_98 = arith.maximumf %add3A_95, %max3A_97 : vector<16xf32>
      %div3A_99 = arith.divf %broadcast_in_dim3A_39, %max3A_98 : vector<16xf32>
      %swap3A_100 = arith.constant 48 : index
      %swap3A_101 = tpu.vector_load %arg7[%swap3A_100] {strides = array<i32>} : memref<64xf32, #tpu.memory_space<vmem>>, vector<16xf32>,
      tpu.vector_store %arg7[%swap3A_100], %div3A_99 {strides = array<i32>} : memref<64xf32, #tpu.memory_space<vmem>>, vector<16xf32>,
      %add3A_102 = arith.addf %add3A_86, %div3A_99 : vector<16xf32>
      %reduce_sum3A = arith.constant true
      %reduce_sum3A_103 = vector.broadcast %reduce_sum3A : i1 to vector<16xi1>
      %reduce_sum3A_104 = tpu.scan <sum>, %add3A_102 masked %reduce_sum3A_103 : vector<16xf32>, vector<16xi1> -> vector<16xf32>
      %reduce_sum3A_105 = vector.extract %reduce_sum3A_104[15] : f32 from vector<16xf32>
      %broadcast_in_dim3A_106 = vector.broadcast %reduce_sum3A_105 : f32 to vector<16xf32>
      %mul3A_107 = arith.constant 1.562500e-02 : f32
      %mul3A_108 = vector.broadcast %mul3A_107 : f32 to vector<16xf32>
      %mul3A_109 = arith.mulf %broadcast_in_dim3A_106, %mul3A_108 : vector<16xf32>
      %broadcast_in_dim3A_110 = arith.constant 0.000000e+00 : f32
      %broadcast_in_dim3A_111 = vector.broadcast %broadcast_in_dim3A_110 : f32 to vector<16xf32>
      %get3A_112 = arith.constant 0 : index
      %get3A_113 = tpu.vector_load %arg7[%get3A_112] {strides = array<i32>} : memref<64xf32, #tpu.memory_space<vmem>>, vector<16xf32>,
      %div3A_114 = arith.divf %get3A_113, %mul3A_109 : vector<16xf32>
      %swap3A_115 = arith.constant 0 : index
      %swap3A_116 = tpu.vector_load %arg7[%swap3A_115] {strides = array<i32>} : memref<64xf32, #tpu.memory_space<vmem>>, vector<16xf32>,
      tpu.vector_store %arg7[%swap3A_115], %div3A_114 {strides = array<i32>} : memref<64xf32, #tpu.memory_space<vmem>>, vector<16xf32>,
      %get3A_117 = arith.constant 0 : index
      %get3A_118 = tpu.vector_load %arg8[%get3A_117] {strides = array<i32>} : memref<64xf32, #tpu.memory_space<vmem>>, vector<16xf32>,
      %mul3A_119 = arith.mulf %div3A_114, %get3A_118 : vector<16xf32>
      %add3A_120 = arith.addf %broadcast_in_dim3A_111, %mul3A_119 : vector<16xf32>
      %get3A_121 = arith.constant 16 : index
      %get3A_122 = tpu.vector_load %arg7[%get3A_121] {strides = array<i32>} : memref<64xf32, #tpu.memory_space<vmem>>, vector<16xf32>,
      %div3A_123 = arith.divf %get3A_122, %mul3A_109 : vector<16xf32>
      %swap3A_124 = arith.constant 16 : index
      %swap3A_125 = tpu.vector_load %arg7[%swap3A_124] {strides = array<i32>} : memref<64xf32, #tpu.memory_space<vmem>>, vector<16xf32>,
      tpu.vector_store %arg7[%swap3A_124], %div3A_123 {strides = array<i32>} : memref<64xf32, #tpu.memory_space<vmem>>, vector<16xf32>,
      %get3A_126 = arith.constant 16 : index
      %get3A_127 = tpu.vector_load %arg8[%get3A_126] {strides = array<i32>} : memref<64xf32, #tpu.memory_space<vmem>>, vector<16xf32>,
      %mul3A_128 = arith.mulf %div3A_123, %get3A_127 : vector<16xf32>
      %add3A_129 = arith.addf %add3A_120, %mul3A_128 : vector<16xf32>
      %get3A_130 = arith.constant 32 : index
      %get3A_131 = tpu.vector_load %arg7[%get3A_130] {strides = array<i32>} : memref<64xf32, #tpu.memory_space<vmem>>, vector<16xf32>,
      %div3A_132 = arith.divf %get3A_131, %mul3A_109 : vector<16xf32>
      %swap3A_133 = arith.constant 32 : index
      %swap3A_134 = tpu.vector_load %arg7[%swap3A_133] {strides = array<i32>} : memref<64xf32, #tpu.memory_space<vmem>>, vector<16xf32>,
      tpu.vector_store %arg7[%swap3A_133], %div3A_132 {strides = array<i32>} : memref<64xf32, #tpu.memory_space<vmem>>, vector<16xf32>,
      %get3A_135 = arith.constant 32 : index
      %get3A_136 = tpu.vector_load %arg8[%get3A_135] {strides = array<i32>} : memref<64xf32, #tpu.memory_space<vmem>>, vector<16xf32>,
      %mul3A_137 = arith.mulf %div3A_132, %get3A_136 : vector<16xf32>
      %add3A_138 = arith.addf %add3A_129, %mul3A_137 : vector<16xf32>
      %get3A_139 = arith.constant 48 : index
      %get3A_140 = tpu.vector_load %arg7[%get3A_139] {strides = array<i32>} : memref<64xf32, #tpu.memory_space<vmem>>, vector<16xf32>,
      %div3A_141 = arith.divf %get3A_140, %mul3A_109 : vector<16xf32>
      %swap3A_142 = arith.constant 48 : index
      %swap3A_143 = tpu.vector_load %arg7[%swap3A_142] {strides = array<i32>} : memref<64xf32, #tpu.memory_space<vmem>>, vector<16xf32>,
      tpu.vector_store %arg7[%swap3A_142], %div3A_141 {strides = array<i32>} : memref<64xf32, #tpu.memory_space<vmem>>, vector<16xf32>,
      %get3A_144 = arith.constant 48 : index
      %get3A_145 = tpu.vector_load %arg8[%get3A_144] {strides = array<i32>} : memref<64xf32, #tpu.memory_space<vmem>>, vector<16xf32>,
      %mul3A_146 = arith.mulf %div3A_141, %get3A_145 : vector<16xf32>
      %add3A_147 = arith.addf %add3A_138, %mul3A_146 : vector<16xf32>
      %reduce_sum3A_148 = arith.constant true
      %reduce_sum3A_149 = vector.broadcast %reduce_sum3A_148 : i1 to vector<16xi1>
      %reduce_sum3A_150 = tpu.scan <sum>, %add3A_147 masked %reduce_sum3A_149 : vector<16xf32>, vector<16xi1> -> vector<16xf32>
      %reduce_sum3A_151 = vector.extract %reduce_sum3A_150[15] : f32 from vector<16xf32>
      %broadcast_in_dim3A_152 = vector.broadcast %reduce_sum3A_151 : f32 to vector<16xf32>
      %mul3A_153 = arith.constant 2.44140625E-4 : f32
      %mul3A_154 = vector.broadcast %mul3A_153 : f32 to vector<16xf32>
      %mul3A_155 = arith.mulf %broadcast_in_dim3A_152, %mul3A_154 : vector<16xf32>
      %div3A_156 = arith.divf %broadcast_in_dim3A_39, %mul3A_155 : vector<16xf32>
      %scan3A_157 = arith.constant 0 : i32
      %scan3A_158 = arith.constant 0 : i32
      %scan3A_159 = arith.constant 256 : i32
      %scan3A_160 = arith.addi %scan3A_158, %scan3A_159 : i32
      %scan3A_161 = arith.constant 1 : i32
      scf.for %scan3A_163 = %scan3A_158 to %scan3A_160 step %scan3A_161  : i32 {
        %mul3A_164 = arith.constant 16 : i32
        %mul3A_165 = arith.muli %scan3A_163, %mul3A_164 : i32
        %get3A_166 = arith.index_cast %mul3A_165 : i32 to index
        %get3A_167 = tpu.vector_load %arg5[%get3A_166] {strides = array<i32>} : memref<4096xi32, #tpu.memory_space<vmem>>, vector<16xi32>,
        %gather3A = tpu.vector_load_idx %arg7[%get3A_167] : memref<64xf32, #tpu.memory_space<vmem>>[vector<16xi32>], vector<16xf32>,
        %mul3A_168 = arith.mulf %gather3A, %div3A_156 : vector<16xf32>
        %mul3A_169 = arith.constant 16 : i32
        %mul3A_170 = arith.muli %scan3A_163, %mul3A_169 : i32
        %swap3A_171 = arith.index_cast %mul3A_170 : i32 to index
        %swap3A_172 = tpu.vector_load %arg9[%swap3A_171] {strides = array<i32>} : memref<4096xf32, #tpu.memory_space<vmem>>, vector<16xf32>,
        tpu.vector_store %arg9[%swap3A_171], %mul3A_168 {strides = array<i32>} : memref<4096xf32, #tpu.memory_space<vmem>>, vector<16xf32>,
      }
      %scan3A_162 = arith.constant 256 : i32
      "tpu.region"() ({
        %run_scoped3A = tpu.sem_alloc : memref<!tpu.dma_semaphore, #tpu.memory_space<semaphore_mem>>
        tpu.enqueue_dma source(%arg9 : memref<4096xf32, #tpu.memory_space<vmem>>) target(%arg4 : memref<4096xf32, #tpu.memory_space<hbm>>) target_semaphore(%run_scoped3A : memref<!tpu.dma_semaphore, #tpu.memory_space<semaphore_mem>>)
        tpu.wait_dma2 semaphore(%run_scoped3A : memref<!tpu.dma_semaphore, #tpu.memory_space<semaphore_mem>>) src(%arg9 : memref<4096xf32, #tpu.memory_space<vmem>>) dst(%arg4 : memref<4096xf32, #tpu.memory_space<hbm>>)
        tpu.yield
      }) : () -> ()
    } else {
    }
    return
  }
}

module attributes {stable_mosaic.version = 14 : i64} {
  func.func @_mlp_loss_body(%arg0: i32, %arg1: memref<256x4096xf32, #tpu.memory_space<vmem>>, %arg2: memref<4096x256xf32, #tpu.memory_space<vmem>>, %arg3: memref<1x256xf32, #tpu.memory_space<vmem>>, %arg4: memref<256x128xf32, #tpu.memory_space<vmem>>, %arg5: memref<1x128xf32, #tpu.memory_space<vmem>>, %arg6: memref<128x4096xf32, #tpu.memory_space<vmem>>, %arg7: memref<1x4096xf32, #tpu.memory_space<vmem>>, %arg8: memref<4096x128xf32, #tpu.memory_space<vmem>>, %arg9: memref<1x128xf32, #tpu.memory_space<vmem>>, %arg10: memref<128x4096xf32, #tpu.memory_space<vmem>>, %arg11: memref<1x4096xf32, #tpu.memory_space<vmem>>, %arg12: memref<4096x128xf32, #tpu.memory_space<vmem>>, %arg13: memref<1x128xf32, #tpu.memory_space<vmem>>, %arg14: memref<128x4096xf32, #tpu.memory_space<vmem>>, %arg15: memref<1x4096xf32, #tpu.memory_space<vmem>>, %arg16: memref<1x4096xf32, #tpu.memory_space<vmem>>, %arg17: memref<256x1xf32, #tpu.memory_space<vmem>>, %arg18: memref<1x1xf32, #tpu.memory_space<vmem>>, %arg19: memref<1x1xf32, #tpu.memory_space<vmem>>, %arg20: memref<256x1xf32, #tpu.memory_space<vmem>>) attributes {dimension_semantics = [#tpu.dimension_semantics<arbitrary>], iteration_bounds = array<i64: 4>, scalar_prefetch = 0 : i64, scratch_operands = 0 : i64, tpu.core_type = #tpu.core_type<tc>, window_params = [{transform_indices = @transform_0, window_bounds = array<i64: 256, 4096>}, {pipeline_mode = #tpu.pipeline_mode<synchronous>, transform_indices = @transform_1, window_bounds = array<i64: 4096, 256>}, {pipeline_mode = #tpu.pipeline_mode<synchronous>, transform_indices = @transform_2, window_bounds = array<i64: 1, 256>}, {pipeline_mode = #tpu.pipeline_mode<synchronous>, transform_indices = @transform_3, window_bounds = array<i64: 256, 128>}, {pipeline_mode = #tpu.pipeline_mode<synchronous>, transform_indices = @transform_4, window_bounds = array<i64: 1, 128>}, {pipeline_mode = #tpu.pipeline_mode<synchronous>, transform_indices = @transform_5, window_bounds = array<i64: 128, 4096>}, {pipeline_mode = #tpu.pipeline_mode<synchronous>, transform_indices = @transform_6, window_bounds = array<i64: 1, 4096>}, {pipeline_mode = #tpu.pipeline_mode<synchronous>, transform_indices = @transform_7, window_bounds = array<i64: 4096, 128>}, {pipeline_mode = #tpu.pipeline_mode<synchronous>, transform_indices = @transform_8, window_bounds = array<i64: 1, 128>}, {pipeline_mode = #tpu.pipeline_mode<synchronous>, transform_indices = @transform_9, window_bounds = array<i64: 128, 4096>}, {pipeline_mode = #tpu.pipeline_mode<synchronous>, transform_indices = @transform_10, window_bounds = array<i64: 1, 4096>}, {pipeline_mode = #tpu.pipeline_mode<synchronous>, transform_indices = @transform_11, window_bounds = array<i64: 4096, 128>}, {pipeline_mode = #tpu.pipeline_mode<synchronous>, transform_indices = @transform_12, window_bounds = array<i64: 1, 128>}, {pipeline_mode = #tpu.pipeline_mode<synchronous>, transform_indices = @transform_13, window_bounds = array<i64: 128, 4096>}, {pipeline_mode = #tpu.pipeline_mode<synchronous>, transform_indices = @transform_14, window_bounds = array<i64: 1, 4096>}, {pipeline_mode = #tpu.pipeline_mode<synchronous>, transform_indices = @transform_15, window_bounds = array<i64: 1, 4096>}, {transform_indices = @transform_16, window_bounds = array<i64: 256, 1>}, {pipeline_mode = #tpu.pipeline_mode<synchronous>, transform_indices = @transform_17, window_bounds = array<i64: 1, 1>}, {pipeline_mode = #tpu.pipeline_mode<synchronous>, transform_indices = @transform_18, window_bounds = array<i64: 1, 1>}, {transform_indices = @transform_19, window_bounds = array<i64: 256, 1>}]} {
    %get3A = arith.constant 0 : index
    %get3A_0 = arith.constant 0 : index
    %get3A_1 = vector.load %arg1[%get3A, %get3A_0] : memref<256x4096xf32, #tpu.memory_space<vmem>>, vector<256x4096xf32>
    %get3A_2 = arith.constant 0 : index
    %get3A_3 = arith.constant 0 : index
    %get3A_4 = vector.load %arg17[%get3A_2, %get3A_3] : memref<256x1xf32, #tpu.memory_space<vmem>>, vector<256x1xf32>
    %get3A_5 = arith.constant 0 : index
    %get3A_6 = arith.constant 0 : index
    %get3A_7 = vector.load %arg18[%get3A_5, %get3A_6] : memref<1x1xf32, #tpu.memory_space<vmem>>, vector<1x1xf32>
    %get3A_8 = vector.extract %get3A_7[0, 0] : f32 from vector<1x1xf32>
    %div3A = vector.broadcast %get3A_8 : f32 to vector<256x1xf32>
    %div3A_9 = arith.divf %get3A_4, %div3A : vector<256x1xf32>
    %swap3A = arith.constant 0 : index
    %swap3A_10 = arith.constant 0 : index
    %swap3A_11 = vector.load %arg20[%swap3A, %swap3A_10] : memref<256x1xf32, #tpu.memory_space<vmem>>, vector<256x1xf32>
    tpu.vector_store %arg20[%swap3A, %swap3A_10], %div3A_9 {strides = array<i32>} : memref<256x1xf32, #tpu.memory_space<vmem>>, vector<256x1xf32>,
    %get3A_12 = arith.constant 0 : index
    %get3A_13 = arith.constant 0 : index
    %get3A_14 = vector.load %arg2[%get3A_12, %get3A_13] : memref<4096x256xf32, #tpu.memory_space<vmem>>, vector<4096x256xf32>
    %dot_general3A = arith.constant dense<0.000000e+00> : vector<256x256xf32>
    %dot_general3A_15 = tpu.matmul %get3A_1, %get3A_14, %dot_general3A {dimension_numbers = #tpu.dot_dimension_numbers<[1], [0], [0], [1], [0, 0, 1, 1], [], []>, transpose_lhs_hint = false} : vector<256x4096xf32>, vector<4096x256xf32>, vector<256x256xf32> -> vector<256x256xf32>
    %get3A_16 = arith.constant 0 : index
    %get3A_17 = arith.constant 0 : index
    %get3A_18 = vector.load %arg3[%get3A_16, %get3A_17] : memref<1x256xf32, #tpu.memory_space<vmem>>, vector<1x256xf32>
    %add3A = vector.broadcast %get3A_18 : vector<1x256xf32> to vector<256x256xf32>
    %add3A_19 = arith.addf %dot_general3A_15, %add3A : vector<256x256xf32>
    %max3A = arith.constant 0.000000e+00 : f32
    %max3A_20 = vector.broadcast %max3A : f32 to vector<256x256xf32>
    %max3A_21 = arith.maximumf %add3A_19, %max3A_20 : vector<256x256xf32>
    %get3A_22 = arith.constant 0 : index
    %get3A_23 = arith.constant 0 : index
    %get3A_24 = vector.load %arg4[%get3A_22, %get3A_23] : memref<256x128xf32, #tpu.memory_space<vmem>>, vector<256x128xf32>
    %dot_general3A_25 = arith.constant dense<0.000000e+00> : vector<256x128xf32>
    %dot_general3A_26 = tpu.matmul %max3A_21, %get3A_24, %dot_general3A_25 {dimension_numbers = #tpu.dot_dimension_numbers<[1], [0], [0], [1], [0, 0, 1, 1], [], []>, transpose_lhs_hint = false} : vector<256x256xf32>, vector<256x128xf32>, vector<256x128xf32> -> vector<256x128xf32>
    %get3A_27 = arith.constant 0 : index
    %get3A_28 = arith.constant 0 : index
    %get3A_29 = vector.load %arg5[%get3A_27, %get3A_28] : memref<1x128xf32, #tpu.memory_space<vmem>>, vector<1x128xf32>
    %add3A_30 = vector.broadcast %get3A_29 : vector<1x128xf32> to vector<256x128xf32>
    %add3A_31 = arith.addf %dot_general3A_26, %add3A_30 : vector<256x128xf32>
    %max3A_32 = arith.constant 0.000000e+00 : f32
    %max3A_33 = vector.broadcast %max3A_32 : f32 to vector<256x128xf32>
    %max3A_34 = arith.maximumf %add3A_31, %max3A_33 : vector<256x128xf32>
    %get3A_35 = arith.constant 0 : index
    %get3A_36 = arith.constant 0 : index
    %get3A_37 = vector.load %arg6[%get3A_35, %get3A_36] : memref<128x4096xf32, #tpu.memory_space<vmem>>, vector<128x4096xf32>
    %dot_general3A_38 = arith.constant dense<0.000000e+00> : vector<256x4096xf32>
    %dot_general3A_39 = tpu.matmul %max3A_34, %get3A_37, %dot_general3A_38 {dimension_numbers = #tpu.dot_dimension_numbers<[1], [0], [0], [1], [0, 0, 1, 1], [], []>, transpose_lhs_hint = false} : vector<256x128xf32>, vector<128x4096xf32>, vector<256x4096xf32> -> vector<256x4096xf32>
    %get3A_40 = arith.constant 0 : index
    %get3A_41 = arith.constant 0 : index
    %get3A_42 = vector.load %arg7[%get3A_40, %get3A_41] : memref<1x4096xf32, #tpu.memory_space<vmem>>, vector<1x4096xf32>
    %add3A_43 = vector.broadcast %get3A_42 : vector<1x4096xf32> to vector<256x4096xf32>
    %add3A_44 = arith.addf %dot_general3A_39, %add3A_43 : vector<256x4096xf32>
    %mul3A = arith.mulf %add3A_44, %get3A_1 : vector<256x4096xf32>
    %get3A_45 = arith.constant 0 : index
    %get3A_46 = arith.constant 0 : index
    %get3A_47 = vector.load %arg8[%get3A_45, %get3A_46] : memref<4096x128xf32, #tpu.memory_space<vmem>>, vector<4096x128xf32>
    %get3A_48 = arith.constant 0 : index
    %get3A_49 = arith.constant 0 : index
    %get3A_50 = vector.load %arg9[%get3A_48, %get3A_49] : memref<1x128xf32, #tpu.memory_space<vmem>>, vector<1x128xf32>
    %get3A_51 = arith.constant 0 : index
    %get3A_52 = arith.constant 0 : index
    %get3A_53 = vector.load %arg10[%get3A_51, %get3A_52] : memref<128x4096xf32, #tpu.memory_space<vmem>>, vector<128x4096xf32>
    %get3A_54 = arith.constant 0 : index
    %get3A_55 = arith.constant 0 : index
    %get3A_56 = vector.load %arg11[%get3A_54, %get3A_55] : memref<1x4096xf32, #tpu.memory_space<vmem>>, vector<1x4096xf32>
    %get3A_57 = arith.constant 0 : index
    %get3A_58 = arith.constant 0 : index
    %get3A_59 = vector.load %arg12[%get3A_57, %get3A_58] : memref<4096x128xf32, #tpu.memory_space<vmem>>, vector<4096x128xf32>
    %get3A_60 = arith.constant 0 : index
    %get3A_61 = arith.constant 0 : index
    %get3A_62 = vector.load %arg13[%get3A_60, %get3A_61] : memref<1x128xf32, #tpu.memory_space<vmem>>, vector<1x128xf32>
    %get3A_63 = arith.constant 0 : index
    %get3A_64 = arith.constant 0 : index
    %get3A_65 = vector.load %arg14[%get3A_63, %get3A_64] : memref<128x4096xf32, #tpu.memory_space<vmem>>, vector<128x4096xf32>
    %get3A_66 = arith.constant 0 : index
    %get3A_67 = arith.constant 0 : index
    %get3A_68 = vector.load %arg15[%get3A_66, %get3A_67] : memref<1x4096xf32, #tpu.memory_space<vmem>>, vector<1x4096xf32>
    %dot_general3A_69 = arith.constant dense<0.000000e+00> : vector<256x128xf32>
    %dot_general3A_70 = tpu.matmul %mul3A, %get3A_47, %dot_general3A_69 {dimension_numbers = #tpu.dot_dimension_numbers<[1], [0], [0], [1], [0, 0, 1, 1], [], []>, transpose_lhs_hint = false} : vector<256x4096xf32>, vector<4096x128xf32>, vector<256x128xf32> -> vector<256x128xf32>
    %add3A_71 = vector.broadcast %get3A_50 : vector<1x128xf32> to vector<256x128xf32>
    %add3A_72 = arith.addf %dot_general3A_70, %add3A_71 : vector<256x128xf32>
    %max3A_73 = arith.constant 0.000000e+00 : f32
    %max3A_74 = vector.broadcast %max3A_73 : f32 to vector<256x128xf32>
    %max3A_75 = arith.maximumf %add3A_72, %max3A_74 : vector<256x128xf32>
    %dot_general3A_76 = arith.constant dense<0.000000e+00> : vector<256x4096xf32>
    %dot_general3A_77 = tpu.matmul %max3A_75, %get3A_53, %dot_general3A_76 {dimension_numbers = #tpu.dot_dimension_numbers<[1], [0], [0], [1], [0, 0, 1, 1], [], []>, transpose_lhs_hint = false} : vector<256x128xf32>, vector<128x4096xf32>, vector<256x4096xf32> -> vector<256x4096xf32>
    %add3A_78 = vector.broadcast %get3A_56 : vector<1x4096xf32> to vector<256x4096xf32>
    %add3A_79 = arith.addf %dot_general3A_77, %add3A_78 : vector<256x4096xf32>
    %get3A_80 = arith.constant 0 : index
    %get3A_81 = arith.constant 0 : index
    %get3A_82 = vector.load %arg16[%get3A_80, %get3A_81] : memref<1x4096xf32, #tpu.memory_space<vmem>>, vector<1x4096xf32>
    %mul3A_83 = vector.broadcast %get3A_82 : vector<1x4096xf32> to vector<256x4096xf32>
    %mul3A_84 = arith.mulf %mul3A_83, %get3A_1 : vector<256x4096xf32>
    %dot_general3A_85 = arith.constant dense<0.000000e+00> : vector<256x128xf32>
    %dot_general3A_86 = tpu.matmul %mul3A_84, %get3A_47, %dot_general3A_85 {dimension_numbers = #tpu.dot_dimension_numbers<[1], [0], [0], [1], [0, 0, 1, 1], [], []>, transpose_lhs_hint = false} : vector<256x4096xf32>, vector<4096x128xf32>, vector<256x128xf32> -> vector<256x128xf32>
    %add3A_87 = vector.broadcast %get3A_50 : vector<1x128xf32> to vector<256x128xf32>
    %add3A_88 = arith.addf %dot_general3A_86, %add3A_87 : vector<256x128xf32>
    %max3A_89 = arith.constant 0.000000e+00 : f32
    %max3A_90 = vector.broadcast %max3A_89 : f32 to vector<256x128xf32>
    %max3A_91 = arith.maximumf %add3A_88, %max3A_90 : vector<256x128xf32>
    %dot_general3A_92 = arith.constant dense<0.000000e+00> : vector<256x4096xf32>
    %dot_general3A_93 = tpu.matmul %max3A_91, %get3A_53, %dot_general3A_92 {dimension_numbers = #tpu.dot_dimension_numbers<[1], [0], [0], [1], [0, 0, 1, 1], [], []>, transpose_lhs_hint = false} : vector<256x128xf32>, vector<128x4096xf32>, vector<256x4096xf32> -> vector<256x4096xf32>
    %add3A_94 = vector.broadcast %get3A_56 : vector<1x4096xf32> to vector<256x4096xf32>
    %add3A_95 = arith.addf %dot_general3A_93, %add3A_94 : vector<256x4096xf32>
    %dot_general3A_96 = arith.constant dense<0.000000e+00> : vector<256x128xf32>
    %dot_general3A_97 = tpu.matmul %mul3A, %get3A_59, %dot_general3A_96 {dimension_numbers = #tpu.dot_dimension_numbers<[1], [0], [0], [1], [0, 0, 1, 1], [], []>, transpose_lhs_hint = false} : vector<256x4096xf32>, vector<4096x128xf32>, vector<256x128xf32> -> vector<256x128xf32>
    %add3A_98 = vector.broadcast %get3A_62 : vector<1x128xf32> to vector<256x128xf32>
    %add3A_99 = arith.addf %dot_general3A_97, %add3A_98 : vector<256x128xf32>
    %max3A_100 = arith.constant 0.000000e+00 : f32
    %max3A_101 = vector.broadcast %max3A_100 : f32 to vector<256x128xf32>
    %max3A_102 = arith.maximumf %add3A_99, %max3A_101 : vector<256x128xf32>
    %dot_general3A_103 = arith.constant dense<0.000000e+00> : vector<256x4096xf32>
    %dot_general3A_104 = tpu.matmul %max3A_102, %get3A_65, %dot_general3A_103 {dimension_numbers = #tpu.dot_dimension_numbers<[1], [0], [0], [1], [0, 0, 1, 1], [], []>, transpose_lhs_hint = false} : vector<256x128xf32>, vector<128x4096xf32>, vector<256x4096xf32> -> vector<256x4096xf32>
    %add3A_105 = vector.broadcast %get3A_68 : vector<1x4096xf32> to vector<256x4096xf32>
    %add3A_106 = arith.addf %dot_general3A_104, %add3A_105 : vector<256x4096xf32>
    %mul3A_107 = vector.broadcast %div3A_9 : vector<256x1xf32> to vector<256x4096xf32>
    %mul3A_108 = arith.mulf %mul3A_107, %get3A_1 : vector<256x4096xf32>
    %dot_general3A_109 = arith.constant dense<0.000000e+00> : vector<256x128xf32>
    %dot_general3A_110 = tpu.matmul %mul3A_108, %get3A_59, %dot_general3A_109 {dimension_numbers = #tpu.dot_dimension_numbers<[1], [0], [0], [1], [0, 0, 1, 1], [], []>, transpose_lhs_hint = false} : vector<256x4096xf32>, vector<4096x128xf32>, vector<256x128xf32> -> vector<256x128xf32>
    %add3A_111 = vector.broadcast %get3A_62 : vector<1x128xf32> to vector<256x128xf32>
    %add3A_112 = arith.addf %dot_general3A_110, %add3A_111 : vector<256x128xf32>
    %max3A_113 = arith.constant 0.000000e+00 : f32
    %max3A_114 = vector.broadcast %max3A_113 : f32 to vector<256x128xf32>
    %max3A_115 = arith.maximumf %add3A_112, %max3A_114 : vector<256x128xf32>
    %dot_general3A_116 = arith.constant dense<0.000000e+00> : vector<256x4096xf32>
    %dot_general3A_117 = tpu.matmul %max3A_115, %get3A_65, %dot_general3A_116 {dimension_numbers = #tpu.dot_dimension_numbers<[1], [0], [0], [1], [0, 0, 1, 1], [], []>, transpose_lhs_hint = false} : vector<256x128xf32>, vector<128x4096xf32>, vector<256x4096xf32> -> vector<256x4096xf32>
    %add3A_118 = vector.broadcast %get3A_68 : vector<1x4096xf32> to vector<256x4096xf32>
    %add3A_119 = arith.addf %dot_general3A_117, %add3A_118 : vector<256x4096xf32>
    %sub3A = arith.subf %add3A_79, %add3A_95 : vector<256x4096xf32>
    %integer_pow3A = arith.mulf %sub3A, %sub3A : vector<256x4096xf32>
    %reduce_sum3A = vector.shape_cast %integer_pow3A : vector<256x4096xf32> to vector<1x256x4096xf32>
    %reduce_sum3A_120 = arith.constant dense<0.000000e+00> : vector<1xf32>
    %reduce_sum3A_121 = vector.multi_reduction <add>, %reduce_sum3A, %reduce_sum3A_120 [1, 2] : vector<1x256x4096xf32> to vector<1xf32>
    %reduce_sum3A_122 = vector.shape_cast %reduce_sum3A_121 : vector<1xf32> to vector<1x1x1xf32>
    %reduce_sum3A_123 = vector.extract %reduce_sum3A_122[0, 0, 0] : f32 from vector<1x1x1xf32>
    %sub3A_124 = arith.subf %add3A_106, %add3A_119 : vector<256x4096xf32>
    %integer_pow3A_125 = arith.mulf %sub3A_124, %sub3A_124 : vector<256x4096xf32>
    %reduce_sum3A_126 = vector.shape_cast %integer_pow3A_125 : vector<256x4096xf32> to vector<1x256x4096xf32>
    %reduce_sum3A_127 = arith.constant dense<0.000000e+00> : vector<1xf32>
    %reduce_sum3A_128 = vector.multi_reduction <add>, %reduce_sum3A_126, %reduce_sum3A_127 [1, 2] : vector<1x256x4096xf32> to vector<1xf32>
    %reduce_sum3A_129 = vector.shape_cast %reduce_sum3A_128 : vector<1xf32> to vector<1x1x1xf32>
    %reduce_sum3A_130 = vector.extract %reduce_sum3A_129[0, 0, 0] : f32 from vector<1x1x1xf32>
    %add3A_131 = arith.addf %reduce_sum3A_123, %reduce_sum3A_130 : f32
    %div3A_132 = arith.constant 0x4A800000 : f32
    %div3A_133 = arith.divf %add3A_131, %div3A_132 : f32
    %broadcast_in_dim3A = arith.constant 1.000000e+00 : f32
    %broadcast_in_dim3A_134 = vector.broadcast %broadcast_in_dim3A : f32 to vector<1x1xf32>
    %mul3A_135 = vector.broadcast %div3A_133 : f32 to vector<1x1xf32>
    %mul3A_136 = arith.mulf %broadcast_in_dim3A_134, %mul3A_135 : vector<1x1xf32>
    %eq3A = arith.constant 0 : i32
    %eq3A_137 = arith.cmpi eq, %arg0, %eq3A : i32
    %convert_element_type3A = arith.extui %eq3A_137 : i1 to i32
    %cond3A = arith.constant 0 : i32
    %cond3A_138 = arith.cmpi ne, %convert_element_type3A, %cond3A : i32
    scf.if %cond3A_138 {
      %swap3A_143 = arith.constant 0 : index
      %swap3A_144 = arith.constant 0 : index
      %swap3A_145 = vector.load %arg19[%swap3A_143, %swap3A_144] : memref<1x1xf32, #tpu.memory_space<vmem>>, vector<1x1xf32>
      tpu.vector_store %arg19[%swap3A_143, %swap3A_144], %mul3A_136 {strides = array<i32>} : memref<1x1xf32, #tpu.memory_space<vmem>>, vector<1x1xf32>,
    } else {
    }
    %ne3A = arith.constant 0 : i32
    %ne3A_139 = arith.cmpi ne, %arg0, %ne3A : i32
    %convert_element_type3A_140 = arith.extui %ne3A_139 : i1 to i32
    %cond3A_141 = arith.constant 0 : i32
    %cond3A_142 = arith.cmpi ne, %convert_element_type3A_140, %cond3A_141 : i32
    scf.if %cond3A_142 {
      %get3A_143 = arith.constant 0 : index
      %get3A_144 = arith.constant 0 : index
      %get3A_145 = vector.load %arg19[%get3A_143, %get3A_144] : memref<1x1xf32, #tpu.memory_space<vmem>>, vector<1x1xf32>
      %add3A_146 = arith.addf %get3A_145, %mul3A_136 : vector<1x1xf32>
      %swap3A_147 = arith.constant 0 : index
      %swap3A_148 = arith.constant 0 : index
      %swap3A_149 = vector.load %arg19[%swap3A_147, %swap3A_148] : memref<1x1xf32, #tpu.memory_space<vmem>>, vector<1x1xf32>
      tpu.vector_store %arg19[%swap3A_147, %swap3A_148], %add3A_146 {strides = array<i32>} : memref<1x1xf32, #tpu.memory_space<vmem>>, vector<1x1xf32>,
    } else {
    }
    return
  }
  func.func @transform_0(%arg0: i32) -> (i32, i32) {
    %c0_i32 = arith.constant 0 : i32
    %c0_i32_0 = arith.constant 0 : i32
    return %arg0, %c0_i32 : i32, i32
  }
  func.func @transform_1(%arg0: i32) -> (i32, i32) {
    %c0_i32 = arith.constant 0 : i32
    %c0_i32_0 = arith.constant 0 : i32
    %c0_i32_1 = arith.constant 0 : i32
    return %c0_i32, %c0_i32_0 : i32, i32
  }
  func.func @transform_2(%arg0: i32) -> (i32, i32) {
    %c0_i32 = arith.constant 0 : i32
    %c0_i32_0 = arith.constant 0 : i32
    %c0_i32_1 = arith.constant 0 : i32
    return %c0_i32, %c0_i32_0 : i32, i32
  }
  func.func @transform_3(%arg0: i32) -> (i32, i32) {
    %c0_i32 = arith.constant 0 : i32
    %c0_i32_0 = arith.constant 0 : i32
    %c0_i32_1 = arith.constant 0 : i32
    return %c0_i32, %c0_i32_0 : i32, i32
  }
  func.func @transform_4(%arg0: i32) -> (i32, i32) {
    %c0_i32 = arith.constant 0 : i32
    %c0_i32_0 = arith.constant 0 : i32
    %c0_i32_1 = arith.constant 0 : i32
    return %c0_i32, %c0_i32_0 : i32, i32
  }
  func.func @transform_5(%arg0: i32) -> (i32, i32) {
    %c0_i32 = arith.constant 0 : i32
    %c0_i32_0 = arith.constant 0 : i32
    %c0_i32_1 = arith.constant 0 : i32
    return %c0_i32, %c0_i32_0 : i32, i32
  }
  func.func @transform_6(%arg0: i32) -> (i32, i32) {
    %c0_i32 = arith.constant 0 : i32
    %c0_i32_0 = arith.constant 0 : i32
    %c0_i32_1 = arith.constant 0 : i32
    return %c0_i32, %c0_i32_0 : i32, i32
  }
  func.func @transform_7(%arg0: i32) -> (i32, i32) {
    %c0_i32 = arith.constant 0 : i32
    %c0_i32_0 = arith.constant 0 : i32
    %c0_i32_1 = arith.constant 0 : i32
    return %c0_i32, %c0_i32_0 : i32, i32
  }
  func.func @transform_8(%arg0: i32) -> (i32, i32) {
    %c0_i32 = arith.constant 0 : i32
    %c0_i32_0 = arith.constant 0 : i32
    %c0_i32_1 = arith.constant 0 : i32
    return %c0_i32, %c0_i32_0 : i32, i32
  }
  func.func @transform_9(%arg0: i32) -> (i32, i32) {
    %c0_i32 = arith.constant 0 : i32
    %c0_i32_0 = arith.constant 0 : i32
    %c0_i32_1 = arith.constant 0 : i32
    return %c0_i32, %c0_i32_0 : i32, i32
  }
  func.func @transform_10(%arg0: i32) -> (i32, i32) {
    %c0_i32 = arith.constant 0 : i32
    %c0_i32_0 = arith.constant 0 : i32
    %c0_i32_1 = arith.constant 0 : i32
    return %c0_i32, %c0_i32_0 : i32, i32
  }
  func.func @transform_11(%arg0: i32) -> (i32, i32) {
    %c0_i32 = arith.constant 0 : i32
    %c0_i32_0 = arith.constant 0 : i32
    %c0_i32_1 = arith.constant 0 : i32
    return %c0_i32, %c0_i32_0 : i32, i32
  }
  func.func @transform_12(%arg0: i32) -> (i32, i32) {
    %c0_i32 = arith.constant 0 : i32
    %c0_i32_0 = arith.constant 0 : i32
    %c0_i32_1 = arith.constant 0 : i32
    return %c0_i32, %c0_i32_0 : i32, i32
  }
  func.func @transform_13(%arg0: i32) -> (i32, i32) {
    %c0_i32 = arith.constant 0 : i32
    %c0_i32_0 = arith.constant 0 : i32
    %c0_i32_1 = arith.constant 0 : i32
    return %c0_i32, %c0_i32_0 : i32, i32
  }
  func.func @transform_14(%arg0: i32) -> (i32, i32) {
    %c0_i32 = arith.constant 0 : i32
    %c0_i32_0 = arith.constant 0 : i32
    %c0_i32_1 = arith.constant 0 : i32
    return %c0_i32, %c0_i32_0 : i32, i32
  }
  func.func @transform_15(%arg0: i32) -> (i32, i32) {
    %c0_i32 = arith.constant 0 : i32
    %c0_i32_0 = arith.constant 0 : i32
    %c0_i32_1 = arith.constant 0 : i32
    return %c0_i32, %c0_i32_0 : i32, i32
  }
  func.func @transform_16(%arg0: i32) -> (i32, i32) {
    %c0_i32 = arith.constant 0 : i32
    %c0_i32_0 = arith.constant 0 : i32
    return %arg0, %c0_i32 : i32, i32
  }
  func.func @transform_17(%arg0: i32) -> (i32, i32) {
    %c0_i32 = arith.constant 0 : i32
    %c0_i32_0 = arith.constant 0 : i32
    %c0_i32_1 = arith.constant 0 : i32
    return %c0_i32, %c0_i32_0 : i32, i32
  }
  func.func @transform_18(%arg0: i32) -> (i32, i32) {
    %c0_i32 = arith.constant 0 : i32
    %c0_i32_0 = arith.constant 0 : i32
    %c0_i32_1 = arith.constant 0 : i32
    return %c0_i32, %c0_i32_0 : i32, i32
  }
  func.func @transform_19(%arg0: i32) -> (i32, i32) {
    %c0_i32 = arith.constant 0 : i32
    %c0_i32_0 = arith.constant 0 : i32
    return %arg0, %c0_i32 : i32, i32
  }
}

module attributes {stable_mosaic.version = 14 : i64} {
  func.func @_topk_fair_body(%arg0: i32, %arg1: memref<256x4096xf32, #tpu.memory_space<vmem>>, %arg2: memref<256x4096xf32, #tpu.memory_space<vmem>>, %arg3: memref<1x4096xf32, #tpu.memory_space<vmem>>, %arg4: memref<256x1xf32, #tpu.memory_space<vmem>>, %arg5: memref<1x1xf32, #tpu.memory_space<vmem>>, %arg6: memref<1xf32, #tpu.memory_space<smem>>) attributes {dimension_semantics = [#tpu.dimension_semantics<arbitrary>], iteration_bounds = array<i64: 4>, scalar_prefetch = 0 : i64, scratch_operands = 1 : i64, tpu.core_type = #tpu.core_type<tc>, window_params = [{transform_indices = @transform_0, window_bounds = array<i64: 256, 4096>}, {transform_indices = @transform_1, window_bounds = array<i64: 256, 4096>}, {pipeline_mode = #tpu.pipeline_mode<synchronous>, transform_indices = @transform_2, window_bounds = array<i64: 1, 4096>}, {transform_indices = @transform_3, window_bounds = array<i64: 256, 1>}, {pipeline_mode = #tpu.pipeline_mode<synchronous>, transform_indices = @transform_4, window_bounds = array<i64: 1, 1>}]} {
    %get3A = arith.constant 0 : index
    %get3A_0 = arith.constant 0 : index
    %get3A_1 = vector.load %arg1[%get3A, %get3A_0] : memref<256x4096xf32, #tpu.memory_space<vmem>>, vector<256x4096xf32>
    %get3A_2 = arith.constant 0 : index
    %get3A_3 = arith.constant 0 : index
    %get3A_4 = vector.load %arg2[%get3A_2, %get3A_3] : memref<256x4096xf32, #tpu.memory_space<vmem>>, vector<256x4096xf32>
    %gt3A = arith.constant 0.000000e+00 : f32
    %gt3A_5 = vector.broadcast %gt3A : f32 to vector<256x4096xf32>
    %gt3A_6 = arith.cmpf ogt, %get3A_4, %gt3A_5 : vector<256x4096xf32>
    %jit3A = arith.constant -1.000000e+10 : f32
    %broadcast_in_dim3A = vector.broadcast %jit3A : f32 to vector<256x4096xf32>
    %select_n3A = arith.select %gt3A_6, %broadcast_in_dim3A, %get3A_1 : vector<256x4096xi1>, vector<256x4096xf32>
    %convert_element_type3A = arith.extui %gt3A_6 : vector<256x4096xi1> to vector<256x4096xi32>
    %convert_element_type3A_7 = arith.sitofp %convert_element_type3A : vector<256x4096xi32> to vector<256x4096xf32>
    %reduce_sum3A = arith.constant dense<0.000000e+00> : vector<256xf32>
    %reduce_sum3A_8 = vector.multi_reduction <add>, %convert_element_type3A_7, %reduce_sum3A [1] : vector<256x4096xf32> to vector<256xf32>
    %broadcast_in_dim3A_9 = vector.shape_cast %reduce_sum3A_8 : vector<256xf32> to vector<256x1xf32>
    %max3A = arith.constant 1.000000e+00 : f32
    %max3A_10 = vector.broadcast %max3A : f32 to vector<256x1xf32>
    %max3A_11 = arith.maximumf %broadcast_in_dim3A_9, %max3A_10 : vector<256x1xf32>
    %div3A = arith.constant 1.000000e+00 : f32
    %div3A_12 = vector.broadcast %div3A : f32 to vector<256x1xf32>
    %div3A_13 = arith.divf %div3A_12, %max3A_11 : vector<256x1xf32>
    %swap3A = arith.constant 0 : index
    %swap3A_14 = arith.constant 0 : index
    %swap3A_15 = vector.load %arg4[%swap3A, %swap3A_14] : memref<256x1xf32, #tpu.memory_space<vmem>>, vector<256x1xf32>
    tpu.vector_store %arg4[%swap3A, %swap3A_14], %div3A_13 {strides = array<i32>} : memref<256x1xf32, #tpu.memory_space<vmem>>, vector<256x1xf32>,
    %eq3A = arith.constant 0 : i32
    %eq3A_16 = arith.cmpi eq, %arg0, %eq3A : i32
    %convert_element_type3A_17 = arith.extui %eq3A_16 : i1 to i32
    %cond3A = arith.constant 0 : i32
    %cond3A_18 = arith.cmpi ne, %convert_element_type3A_17, %cond3A : i32
    scf.if %cond3A_18 {
      %swap3A_371 = arith.constant 0.000000e+00 : f32
      %swap3A_372 = arith.constant 0 : index
      %swap3A_373 = memref.load %arg6[%swap3A_372] : memref<1xf32, #tpu.memory_space<smem>>
      memref.store %swap3A_371, %arg6[%swap3A_372] : memref<1xf32, #tpu.memory_space<smem>>
    } else {
    }
    %get3A_19 = arith.constant 0 : index
    %get3A_20 = memref.load %arg6[%get3A_19] : memref<1xf32, #tpu.memory_space<smem>>
    %reduce_sum3A_21 = vector.shape_cast %div3A_13 : vector<256x1xf32> to vector<1x256x1xf32>
    %reduce_sum3A_22 = arith.constant dense<0.000000e+00> : vector<1xf32>
    %reduce_sum3A_23 = vector.multi_reduction <add>, %reduce_sum3A_21, %reduce_sum3A_22 [1, 2] : vector<1x256x1xf32> to vector<1xf32>
    %reduce_sum3A_24 = vector.shape_cast %reduce_sum3A_23 : vector<1xf32> to vector<1x1x1xf32>
    %reduce_sum3A_25 = vector.extract %reduce_sum3A_24[0, 0, 0] : f32 from vector<1x1x1xf32>
    %add3A = arith.addf %get3A_20, %reduce_sum3A_25 : f32
    %swap3A_26 = arith.constant 0 : index
    %swap3A_27 = memref.load %arg6[%swap3A_26] : memref<1xf32, #tpu.memory_space<smem>>
    memref.store %add3A, %arg6[%swap3A_26] : memref<1xf32, #tpu.memory_space<smem>>
    %iota3A = tpu.iota {dimensions = array<i32: 1>} : vector<256x4096xi32>
    %convert_element_type3A_28 = arith.sitofp %iota3A : vector<256x4096xi32> to vector<256x4096xf32>
    %reduce_max3A = arith.constant dense<0xFF800000> : vector<256xf32>
    %reduce_max3A_29 = vector.multi_reduction <maximumf>, %select_n3A, %reduce_max3A [1] : vector<256x4096xf32> to vector<256xf32>
    %broadcast_in_dim3A_30 = vector.shape_cast %reduce_max3A_29 : vector<256xf32> to vector<256x1xf32>
    %eq3A_31 = vector.broadcast %broadcast_in_dim3A_30 : vector<256x1xf32> to vector<256x4096xf32>
    %eq3A_32 = arith.cmpf oeq, %select_n3A, %eq3A_31 : vector<256x4096xf32>
    %jit3A_33 = arith.constant 4.096000e+03 : f32
    %broadcast_in_dim3A_34 = vector.broadcast %jit3A_33 : f32 to vector<256x4096xf32>
    %select_n3A_35 = arith.select %eq3A_32, %convert_element_type3A_28, %broadcast_in_dim3A_34 : vector<256x4096xi1>, vector<256x4096xf32>
    %reduce_min3A = arith.constant dense<0x7F800000> : vector<256xf32>
    %reduce_min3A_36 = vector.multi_reduction <minimumf>, %select_n3A_35, %reduce_min3A [1] : vector<256x4096xf32> to vector<256xf32>
    %broadcast_in_dim3A_37 = vector.shape_cast %reduce_min3A_36 : vector<256xf32> to vector<256x1xf32>
    %eq3A_38 = vector.broadcast %broadcast_in_dim3A_37 : vector<256x1xf32> to vector<256x4096xf32>
    %eq3A_39 = arith.cmpf oeq, %select_n3A_35, %eq3A_38 : vector<256x4096xf32>
    %jit3A_40 = arith.constant -1.2676506E+30 : f32
    %broadcast_in_dim3A_41 = vector.broadcast %jit3A_40 : f32 to vector<256x4096xf32>
    %select_n3A_42 = arith.select %eq3A_39, %broadcast_in_dim3A_41, %select_n3A : vector<256x4096xi1>, vector<256x4096xf32>
    %reduce_max3A_43 = arith.constant dense<0xFF800000> : vector<256xf32>
    %reduce_max3A_44 = vector.multi_reduction <maximumf>, %select_n3A_42, %reduce_max3A_43 [1] : vector<256x4096xf32> to vector<256xf32>
    %broadcast_in_dim3A_45 = vector.shape_cast %reduce_max3A_44 : vector<256xf32> to vector<256x1xf32>
    %eq3A_46 = vector.broadcast %broadcast_in_dim3A_45 : vector<256x1xf32> to vector<256x4096xf32>
    %eq3A_47 = arith.cmpf oeq, %select_n3A_42, %eq3A_46 : vector<256x4096xf32>
    %jit3A_48 = arith.constant 4.096000e+03 : f32
    %broadcast_in_dim3A_49 = vector.broadcast %jit3A_48 : f32 to vector<256x4096xf32>
    %select_n3A_50 = arith.select %eq3A_47, %convert_element_type3A_28, %broadcast_in_dim3A_49 : vector<256x4096xi1>, vector<256x4096xf32>
    %reduce_min3A_51 = arith.constant dense<0x7F800000> : vector<256xf32>
    %reduce_min3A_52 = vector.multi_reduction <minimumf>, %select_n3A_50, %reduce_min3A_51 [1] : vector<256x4096xf32> to vector<256xf32>
    %broadcast_in_dim3A_53 = vector.shape_cast %reduce_min3A_52 : vector<256xf32> to vector<256x1xf32>
    %eq3A_54 = vector.broadcast %broadcast_in_dim3A_53 : vector<256x1xf32> to vector<256x4096xf32>
    %eq3A_55 = arith.cmpf oeq, %select_n3A_50, %eq3A_54 : vector<256x4096xf32>
    %jit3A_56 = arith.constant -7.99798499E+29 : f32
    %broadcast_in_dim3A_57 = vector.broadcast %jit3A_56 : f32 to vector<256x4096xf32>
    %select_n3A_58 = arith.select %eq3A_55, %broadcast_in_dim3A_57, %select_n3A_42 : vector<256x4096xi1>, vector<256x4096xf32>
    %reduce_max3A_59 = arith.constant dense<0xFF800000> : vector<256xf32>
    %reduce_max3A_60 = vector.multi_reduction <maximumf>, %select_n3A_58, %reduce_max3A_59 [1] : vector<256x4096xf32> to vector<256xf32>
    %broadcast_in_dim3A_61 = vector.shape_cast %reduce_max3A_60 : vector<256xf32> to vector<256x1xf32>
    %eq3A_62 = vector.broadcast %broadcast_in_dim3A_61 : vector<256x1xf32> to vector<256x4096xf32>
    %eq3A_63 = arith.cmpf oeq, %select_n3A_58, %eq3A_62 : vector<256x4096xf32>
    %jit3A_64 = arith.constant 4.096000e+03 : f32
    %broadcast_in_dim3A_65 = vector.broadcast %jit3A_64 : f32 to vector<256x4096xf32>
    %select_n3A_66 = arith.select %eq3A_63, %convert_element_type3A_28, %broadcast_in_dim3A_65 : vector<256x4096xi1>, vector<256x4096xf32>
    %reduce_min3A_67 = arith.constant dense<0x7F800000> : vector<256xf32>
    %reduce_min3A_68 = vector.multi_reduction <minimumf>, %select_n3A_66, %reduce_min3A_67 [1] : vector<256x4096xf32> to vector<256xf32>
    %broadcast_in_dim3A_69 = vector.shape_cast %reduce_min3A_68 : vector<256xf32> to vector<256x1xf32>
    %eq3A_70 = vector.broadcast %broadcast_in_dim3A_69 : vector<256x1xf32> to vector<256x4096xf32>
    %eq3A_71 = arith.cmpf oeq, %select_n3A_66, %eq3A_70 : vector<256x4096xf32>
    %jit3A_72 = arith.constant -6.338253E+29 : f32
    %broadcast_in_dim3A_73 = vector.broadcast %jit3A_72 : f32 to vector<256x4096xf32>
    %select_n3A_74 = arith.select %eq3A_71, %broadcast_in_dim3A_73, %select_n3A_58 : vector<256x4096xi1>, vector<256x4096xf32>
    %reduce_max3A_75 = arith.constant dense<0xFF800000> : vector<256xf32>
    %reduce_max3A_76 = vector.multi_reduction <maximumf>, %select_n3A_74, %reduce_max3A_75 [1] : vector<256x4096xf32> to vector<256xf32>
    %broadcast_in_dim3A_77 = vector.shape_cast %reduce_max3A_76 : vector<256xf32> to vector<256x1xf32>
    %eq3A_78 = vector.broadcast %broadcast_in_dim3A_77 : vector<256x1xf32> to vector<256x4096xf32>
    %eq3A_79 = arith.cmpf oeq, %select_n3A_74, %eq3A_78 : vector<256x4096xf32>
    %jit3A_80 = arith.constant 4.096000e+03 : f32
    %broadcast_in_dim3A_81 = vector.broadcast %jit3A_80 : f32 to vector<256x4096xf32>
    %select_n3A_82 = arith.select %eq3A_79, %convert_element_type3A_28, %broadcast_in_dim3A_81 : vector<256x4096xi1>, vector<256x4096xf32>
    %reduce_min3A_83 = arith.constant dense<0x7F800000> : vector<256xf32>
    %reduce_min3A_84 = vector.multi_reduction <minimumf>, %select_n3A_82, %reduce_min3A_83 [1] : vector<256x4096xf32> to vector<256xf32>
    %broadcast_in_dim3A_85 = vector.shape_cast %reduce_min3A_84 : vector<256xf32> to vector<256x1xf32>
    %eq3A_86 = vector.broadcast %broadcast_in_dim3A_85 : vector<256x1xf32> to vector<256x4096xf32>
    %eq3A_87 = arith.cmpf oeq, %select_n3A_82, %eq3A_86 : vector<256x4096xf32>
    %jit3A_88 = arith.constant -5.45947387E+29 : f32
    %broadcast_in_dim3A_89 = vector.broadcast %jit3A_88 : f32 to vector<256x4096xf32>
    %select_n3A_90 = arith.select %eq3A_87, %broadcast_in_dim3A_89, %select_n3A_74 : vector<256x4096xi1>, vector<256x4096xf32>
    %reduce_max3A_91 = arith.constant dense<0xFF800000> : vector<256xf32>
    %reduce_max3A_92 = vector.multi_reduction <maximumf>, %select_n3A_90, %reduce_max3A_91 [1] : vector<256x4096xf32> to vector<256xf32>
    %broadcast_in_dim3A_93 = vector.shape_cast %reduce_max3A_92 : vector<256xf32> to vector<256x1xf32>
    %eq3A_94 = vector.broadcast %broadcast_in_dim3A_93 : vector<256x1xf32> to vector<256x4096xf32>
    %eq3A_95 = arith.cmpf oeq, %select_n3A_90, %eq3A_94 : vector<256x4096xf32>
    %jit3A_96 = arith.constant 4.096000e+03 : f32
    %broadcast_in_dim3A_97 = vector.broadcast %jit3A_96 : f32 to vector<256x4096xf32>
    %select_n3A_98 = arith.select %eq3A_95, %convert_element_type3A_28, %broadcast_in_dim3A_97 : vector<256x4096xi1>, vector<256x4096xf32>
    %reduce_min3A_99 = arith.constant dense<0x7F800000> : vector<256xf32>
    %reduce_min3A_100 = vector.multi_reduction <minimumf>, %select_n3A_98, %reduce_min3A_99 [1] : vector<256x4096xf32> to vector<256xf32>
    %broadcast_in_dim3A_101 = vector.shape_cast %reduce_min3A_100 : vector<256xf32> to vector<256x1xf32>
    %eq3A_102 = vector.broadcast %broadcast_in_dim3A_101 : vector<256x1xf32> to vector<256x4096xf32>
    %eq3A_103 = arith.cmpf oeq, %select_n3A_98, %eq3A_102 : vector<256x4096xf32>
    %jit3A_104 = arith.constant -4.90394185E+29 : f32
    %broadcast_in_dim3A_105 = vector.broadcast %jit3A_104 : f32 to vector<256x4096xf32>
    %select_n3A_106 = arith.select %eq3A_103, %broadcast_in_dim3A_105, %select_n3A_90 : vector<256x4096xi1>, vector<256x4096xf32>
    %reduce_max3A_107 = arith.constant dense<0xFF800000> : vector<256xf32>
    %reduce_max3A_108 = vector.multi_reduction <maximumf>, %select_n3A_106, %reduce_max3A_107 [1] : vector<256x4096xf32> to vector<256xf32>
    %broadcast_in_dim3A_109 = vector.shape_cast %reduce_max3A_108 : vector<256xf32> to vector<256x1xf32>
    %eq3A_110 = vector.broadcast %broadcast_in_dim3A_109 : vector<256x1xf32> to vector<256x4096xf32>
    %eq3A_111 = arith.cmpf oeq, %select_n3A_106, %eq3A_110 : vector<256x4096xf32>
    %jit3A_112 = arith.constant 4.096000e+03 : f32
    %broadcast_in_dim3A_113 = vector.broadcast %jit3A_112 : f32 to vector<256x4096xf32>
    %select_n3A_114 = arith.select %eq3A_111, %convert_element_type3A_28, %broadcast_in_dim3A_113 : vector<256x4096xi1>, vector<256x4096xf32>
    %reduce_min3A_115 = arith.constant dense<0x7F800000> : vector<256xf32>
    %reduce_min3A_116 = vector.multi_reduction <minimumf>, %select_n3A_114, %reduce_min3A_115 [1] : vector<256x4096xf32> to vector<256xf32>
    %broadcast_in_dim3A_117 = vector.shape_cast %reduce_min3A_116 : vector<256xf32> to vector<256x1xf32>
    %eq3A_118 = vector.broadcast %broadcast_in_dim3A_117 : vector<256x1xf32> to vector<256x4096xf32>
    %eq3A_119 = arith.cmpf oeq, %select_n3A_114, %eq3A_118 : vector<256x4096xf32>
    %jit3A_120 = arith.constant -4.51546261E+29 : f32
    %broadcast_in_dim3A_121 = vector.broadcast %jit3A_120 : f32 to vector<256x4096xf32>
    %select_n3A_122 = arith.select %eq3A_119, %broadcast_in_dim3A_121, %select_n3A_106 : vector<256x4096xi1>, vector<256x4096xf32>
    %reduce_max3A_123 = arith.constant dense<0xFF800000> : vector<256xf32>
    %reduce_max3A_124 = vector.multi_reduction <maximumf>, %select_n3A_122, %reduce_max3A_123 [1] : vector<256x4096xf32> to vector<256xf32>
    %broadcast_in_dim3A_125 = vector.shape_cast %reduce_max3A_124 : vector<256xf32> to vector<256x1xf32>
    %eq3A_126 = vector.broadcast %broadcast_in_dim3A_125 : vector<256x1xf32> to vector<256x4096xf32>
    %eq3A_127 = arith.cmpf oeq, %select_n3A_122, %eq3A_126 : vector<256x4096xf32>
    %jit3A_128 = arith.constant 4.096000e+03 : f32
    %broadcast_in_dim3A_129 = vector.broadcast %jit3A_128 : f32 to vector<256x4096xf32>
    %select_n3A_130 = arith.select %eq3A_127, %convert_element_type3A_28, %broadcast_in_dim3A_129 : vector<256x4096xi1>, vector<256x4096xf32>
    %reduce_min3A_131 = arith.constant dense<0x7F800000> : vector<256xf32>
    %reduce_min3A_132 = vector.multi_reduction <minimumf>, %select_n3A_130, %reduce_min3A_131 [1] : vector<256x4096xf32> to vector<256xf32>
    %broadcast_in_dim3A_133 = vector.shape_cast %reduce_min3A_132 : vector<256xf32> to vector<256x1xf32>
    %eq3A_134 = vector.broadcast %broadcast_in_dim3A_133 : vector<256x1xf32> to vector<256x4096xf32>
    %eq3A_135 = arith.cmpf oeq, %select_n3A_130, %eq3A_134 : vector<256x4096xf32>
    %jit3A_136 = arith.constant -4.22550213E+29 : f32
    %broadcast_in_dim3A_137 = vector.broadcast %jit3A_136 : f32 to vector<256x4096xf32>
    %select_n3A_138 = arith.select %eq3A_135, %broadcast_in_dim3A_137, %select_n3A_122 : vector<256x4096xi1>, vector<256x4096xf32>
    %reduce_max3A_139 = arith.constant dense<0xFF800000> : vector<256xf32>
    %reduce_max3A_140 = vector.multi_reduction <maximumf>, %select_n3A_138, %reduce_max3A_139 [1] : vector<256x4096xf32> to vector<256xf32>
    %broadcast_in_dim3A_141 = vector.shape_cast %reduce_max3A_140 : vector<256xf32> to vector<256x1xf32>
    %eq3A_142 = vector.broadcast %broadcast_in_dim3A_141 : vector<256x1xf32> to vector<256x4096xf32>
    %eq3A_143 = arith.cmpf oeq, %select_n3A_138, %eq3A_142 : vector<256x4096xf32>
    %jit3A_144 = arith.constant 4.096000e+03 : f32
    %broadcast_in_dim3A_145 = vector.broadcast %jit3A_144 : f32 to vector<256x4096xf32>
    %select_n3A_146 = arith.select %eq3A_143, %convert_element_type3A_28, %broadcast_in_dim3A_145 : vector<256x4096xi1>, vector<256x4096xf32>
    %reduce_min3A_147 = arith.constant dense<0x7F800000> : vector<256xf32>
    %reduce_min3A_148 = vector.multi_reduction <minimumf>, %select_n3A_146, %reduce_min3A_147 [1] : vector<256x4096xf32> to vector<256xf32>
    %broadcast_in_dim3A_149 = vector.shape_cast %reduce_min3A_148 : vector<256xf32> to vector<256x1xf32>
    %eq3A_150 = vector.broadcast %broadcast_in_dim3A_149 : vector<256x1xf32> to vector<256x4096xf32>
    %eq3A_151 = arith.cmpf oeq, %select_n3A_146, %eq3A_150 : vector<256x4096xf32>
    %jit3A_152 = arith.constant -3.9989925E+29 : f32
    %broadcast_in_dim3A_153 = vector.broadcast %jit3A_152 : f32 to vector<256x4096xf32>
    %select_n3A_154 = arith.select %eq3A_151, %broadcast_in_dim3A_153, %select_n3A_138 : vector<256x4096xi1>, vector<256x4096xf32>
    %reduce_max3A_155 = arith.constant dense<0xFF800000> : vector<256xf32>
    %reduce_max3A_156 = vector.multi_reduction <maximumf>, %select_n3A_154, %reduce_max3A_155 [1] : vector<256x4096xf32> to vector<256xf32>
    %broadcast_in_dim3A_157 = vector.shape_cast %reduce_max3A_156 : vector<256xf32> to vector<256x1xf32>
    %eq3A_158 = vector.broadcast %broadcast_in_dim3A_157 : vector<256x1xf32> to vector<256x4096xf32>
    %eq3A_159 = arith.cmpf oeq, %select_n3A_154, %eq3A_158 : vector<256x4096xf32>
    %jit3A_160 = arith.constant 4.096000e+03 : f32
    %broadcast_in_dim3A_161 = vector.broadcast %jit3A_160 : f32 to vector<256x4096xf32>
    %select_n3A_162 = arith.select %eq3A_159, %convert_element_type3A_28, %broadcast_in_dim3A_161 : vector<256x4096xi1>, vector<256x4096xf32>
    %reduce_min3A_163 = arith.constant dense<0x7F800000> : vector<256xf32>
    %reduce_min3A_164 = vector.multi_reduction <minimumf>, %select_n3A_162, %reduce_min3A_163 [1] : vector<256x4096xf32> to vector<256xf32>
    %broadcast_in_dim3A_165 = vector.shape_cast %reduce_min3A_164 : vector<256xf32> to vector<256x1xf32>
    %eq3A_166 = vector.broadcast %broadcast_in_dim3A_165 : vector<256x1xf32> to vector<256x4096xf32>
    %eq3A_167 = arith.cmpf oeq, %select_n3A_162, %eq3A_166 : vector<256x4096xf32>
    %jit3A_168 = arith.constant -3.81600873E+29 : f32
    %broadcast_in_dim3A_169 = vector.broadcast %jit3A_168 : f32 to vector<256x4096xf32>
    %select_n3A_170 = arith.select %eq3A_167, %broadcast_in_dim3A_169, %select_n3A_154 : vector<256x4096xi1>, vector<256x4096xf32>
    %reduce_max3A_171 = arith.constant dense<0xFF800000> : vector<256xf32>
    %reduce_max3A_172 = vector.multi_reduction <maximumf>, %select_n3A_170, %reduce_max3A_171 [1] : vector<256x4096xf32> to vector<256xf32>
    %broadcast_in_dim3A_173 = vector.shape_cast %reduce_max3A_172 : vector<256xf32> to vector<256x1xf32>
    %eq3A_174 = vector.broadcast %broadcast_in_dim3A_173 : vector<256x1xf32> to vector<256x4096xf32>
    %eq3A_175 = arith.cmpf oeq, %select_n3A_170, %eq3A_174 : vector<256x4096xf32>
    %jit3A_176 = arith.constant 4.096000e+03 : f32
    %broadcast_in_dim3A_177 = vector.broadcast %jit3A_176 : f32 to vector<256x4096xf32>
    %select_n3A_178 = arith.select %eq3A_175, %convert_element_type3A_28, %broadcast_in_dim3A_177 : vector<256x4096xi1>, vector<256x4096xf32>
    %reduce_min3A_179 = arith.constant dense<0x7F800000> : vector<256xf32>
    %reduce_min3A_180 = vector.multi_reduction <minimumf>, %select_n3A_178, %reduce_min3A_179 [1] : vector<256x4096xf32> to vector<256xf32>
    %broadcast_in_dim3A_181 = vector.shape_cast %reduce_min3A_180 : vector<256xf32> to vector<256x1xf32>
    %eq3A_182 = vector.broadcast %broadcast_in_dim3A_181 : vector<256x1xf32> to vector<256x4096xf32>
    %eq3A_183 = arith.cmpf oeq, %select_n3A_178, %eq3A_182 : vector<256x4096xf32>
    %jit3A_184 = arith.constant -3.66433198E+29 : f32
    %broadcast_in_dim3A_185 = vector.broadcast %jit3A_184 : f32 to vector<256x4096xf32>
    %select_n3A_186 = arith.select %eq3A_183, %broadcast_in_dim3A_185, %select_n3A_170 : vector<256x4096xi1>, vector<256x4096xf32>
    %reduce_max3A_187 = arith.constant dense<0xFF800000> : vector<256xf32>
    %reduce_max3A_188 = vector.multi_reduction <maximumf>, %select_n3A_186, %reduce_max3A_187 [1] : vector<256x4096xf32> to vector<256xf32>
    %broadcast_in_dim3A_189 = vector.shape_cast %reduce_max3A_188 : vector<256xf32> to vector<256x1xf32>
    %eq3A_190 = vector.broadcast %broadcast_in_dim3A_189 : vector<256x1xf32> to vector<256x4096xf32>
    %eq3A_191 = arith.cmpf oeq, %select_n3A_186, %eq3A_190 : vector<256x4096xf32>
    %jit3A_192 = arith.constant 4.096000e+03 : f32
    %broadcast_in_dim3A_193 = vector.broadcast %jit3A_192 : f32 to vector<256x4096xf32>
    %select_n3A_194 = arith.select %eq3A_191, %convert_element_type3A_28, %broadcast_in_dim3A_193 : vector<256x4096xi1>, vector<256x4096xf32>
    %reduce_min3A_195 = arith.constant dense<0x7F800000> : vector<256xf32>
    %reduce_min3A_196 = vector.multi_reduction <minimumf>, %select_n3A_194, %reduce_min3A_195 [1] : vector<256x4096xf32> to vector<256xf32>
    %broadcast_in_dim3A_197 = vector.shape_cast %reduce_min3A_196 : vector<256xf32> to vector<256x1xf32>
    %eq3A_198 = vector.broadcast %broadcast_in_dim3A_197 : vector<256x1xf32> to vector<256x4096xf32>
    %eq3A_199 = arith.cmpf oeq, %select_n3A_194, %eq3A_198 : vector<256x4096xf32>
    %jit3A_200 = arith.constant -3.53602189E+29 : f32
    %broadcast_in_dim3A_201 = vector.broadcast %jit3A_200 : f32 to vector<256x4096xf32>
    %select_n3A_202 = arith.select %eq3A_199, %broadcast_in_dim3A_201, %select_n3A_186 : vector<256x4096xi1>, vector<256x4096xf32>
    %reduce_max3A_203 = arith.constant dense<0xFF800000> : vector<256xf32>
    %reduce_max3A_204 = vector.multi_reduction <maximumf>, %select_n3A_202, %reduce_max3A_203 [1] : vector<256x4096xf32> to vector<256xf32>
    %broadcast_in_dim3A_205 = vector.shape_cast %reduce_max3A_204 : vector<256xf32> to vector<256x1xf32>
    %eq3A_206 = vector.broadcast %broadcast_in_dim3A_205 : vector<256x1xf32> to vector<256x4096xf32>
    %eq3A_207 = arith.cmpf oeq, %select_n3A_202, %eq3A_206 : vector<256x4096xf32>
    %jit3A_208 = arith.constant 4.096000e+03 : f32
    %broadcast_in_dim3A_209 = vector.broadcast %jit3A_208 : f32 to vector<256x4096xf32>
    %select_n3A_210 = arith.select %eq3A_207, %convert_element_type3A_28, %broadcast_in_dim3A_209 : vector<256x4096xi1>, vector<256x4096xf32>
    %reduce_min3A_211 = arith.constant dense<0x7F800000> : vector<256xf32>
    %reduce_min3A_212 = vector.multi_reduction <minimumf>, %select_n3A_210, %reduce_min3A_211 [1] : vector<256x4096xf32> to vector<256xf32>
    %broadcast_in_dim3A_213 = vector.shape_cast %reduce_min3A_212 : vector<256xf32> to vector<256x1xf32>
    %eq3A_214 = vector.broadcast %broadcast_in_dim3A_213 : vector<256x1xf32> to vector<256x4096xf32>
    %eq3A_215 = arith.cmpf oeq, %select_n3A_210, %eq3A_214 : vector<256x4096xf32>
    %jit3A_216 = arith.constant -3.42567567E+29 : f32
    %broadcast_in_dim3A_217 = vector.broadcast %jit3A_216 : f32 to vector<256x4096xf32>
    %select_n3A_218 = arith.select %eq3A_215, %broadcast_in_dim3A_217, %select_n3A_202 : vector<256x4096xi1>, vector<256x4096xf32>
    %reduce_max3A_219 = arith.constant dense<0xFF800000> : vector<256xf32>
    %reduce_max3A_220 = vector.multi_reduction <maximumf>, %select_n3A_218, %reduce_max3A_219 [1] : vector<256x4096xf32> to vector<256xf32>
    %broadcast_in_dim3A_221 = vector.shape_cast %reduce_max3A_220 : vector<256xf32> to vector<256x1xf32>
    %eq3A_222 = vector.broadcast %broadcast_in_dim3A_221 : vector<256x1xf32> to vector<256x4096xf32>
    %eq3A_223 = arith.cmpf oeq, %select_n3A_218, %eq3A_222 : vector<256x4096xf32>
    %jit3A_224 = arith.constant 4.096000e+03 : f32
    %broadcast_in_dim3A_225 = vector.broadcast %jit3A_224 : f32 to vector<256x4096xf32>
    %select_n3A_226 = arith.select %eq3A_223, %convert_element_type3A_28, %broadcast_in_dim3A_225 : vector<256x4096xi1>, vector<256x4096xf32>
    %reduce_min3A_227 = arith.constant dense<0x7F800000> : vector<256xf32>
    %reduce_min3A_228 = vector.multi_reduction <minimumf>, %select_n3A_226, %reduce_min3A_227 [1] : vector<256x4096xf32> to vector<256xf32>
    %broadcast_in_dim3A_229 = vector.shape_cast %reduce_min3A_228 : vector<256xf32> to vector<256x1xf32>
    %eq3A_230 = vector.broadcast %broadcast_in_dim3A_229 : vector<256x1xf32> to vector<256x4096xf32>
    %eq3A_231 = arith.cmpf oeq, %select_n3A_226, %eq3A_230 : vector<256x4096xf32>
    %jit3A_232 = arith.constant -3.32947842E+29 : f32
    %broadcast_in_dim3A_233 = vector.broadcast %jit3A_232 : f32 to vector<256x4096xf32>
    %select_n3A_234 = arith.select %eq3A_231, %broadcast_in_dim3A_233, %select_n3A_218 : vector<256x4096xi1>, vector<256x4096xf32>
    %reduce_max3A_235 = arith.constant dense<0xFF800000> : vector<256xf32>
    %reduce_max3A_236 = vector.multi_reduction <maximumf>, %select_n3A_234, %reduce_max3A_235 [1] : vector<256x4096xf32> to vector<256xf32>
    %broadcast_in_dim3A_237 = vector.shape_cast %reduce_max3A_236 : vector<256xf32> to vector<256x1xf32>
    %eq3A_238 = vector.broadcast %broadcast_in_dim3A_237 : vector<256x1xf32> to vector<256x4096xf32>
    %eq3A_239 = arith.cmpf oeq, %select_n3A_234, %eq3A_238 : vector<256x4096xf32>
    %jit3A_240 = arith.constant 4.096000e+03 : f32
    %broadcast_in_dim3A_241 = vector.broadcast %jit3A_240 : f32 to vector<256x4096xf32>
    %select_n3A_242 = arith.select %eq3A_239, %convert_element_type3A_28, %broadcast_in_dim3A_241 : vector<256x4096xi1>, vector<256x4096xf32>
    %reduce_min3A_243 = arith.constant dense<0x7F800000> : vector<256xf32>
    %reduce_min3A_244 = vector.multi_reduction <minimumf>, %select_n3A_242, %reduce_min3A_243 [1] : vector<256x4096xf32> to vector<256xf32>
    %broadcast_in_dim3A_245 = vector.shape_cast %reduce_min3A_244 : vector<256xf32> to vector<256x1xf32>
    %eq3A_246 = vector.broadcast %broadcast_in_dim3A_245 : vector<256x1xf32> to vector<256x4096xf32>
    %eq3A_247 = arith.cmpf oeq, %select_n3A_242, %eq3A_246 : vector<256x4096xf32>
    %jit3A_248 = arith.constant -3.24465339E+29 : f32
    %broadcast_in_dim3A_249 = vector.broadcast %jit3A_248 : f32 to vector<256x4096xf32>
    %select_n3A_250 = arith.select %eq3A_247, %broadcast_in_dim3A_249, %select_n3A_234 : vector<256x4096xi1>, vector<256x4096xf32>
    %reduce_max3A_251 = arith.constant dense<0xFF800000> : vector<256xf32>
    %reduce_max3A_252 = vector.multi_reduction <maximumf>, %select_n3A_250, %reduce_max3A_251 [1] : vector<256x4096xf32> to vector<256xf32>
    %broadcast_in_dim3A_253 = vector.shape_cast %reduce_max3A_252 : vector<256xf32> to vector<256x1xf32>
    %eq3A_254 = vector.broadcast %broadcast_in_dim3A_253 : vector<256x1xf32> to vector<256x4096xf32>
    %eq3A_255 = arith.cmpf oeq, %select_n3A_250, %eq3A_254 : vector<256x4096xf32>
    %jit3A_256 = arith.constant 4.096000e+03 : f32
    %broadcast_in_dim3A_257 = vector.broadcast %jit3A_256 : f32 to vector<256x4096xf32>
    %select_n3A_258 = arith.select %eq3A_255, %convert_element_type3A_28, %broadcast_in_dim3A_257 : vector<256x4096xi1>, vector<256x4096xf32>
    %reduce_min3A_259 = arith.constant dense<0x7F800000> : vector<256xf32>
    %reduce_min3A_260 = vector.multi_reduction <minimumf>, %select_n3A_258, %reduce_min3A_259 [1] : vector<256x4096xf32> to vector<256xf32>
    %broadcast_in_dim3A_261 = vector.shape_cast %reduce_min3A_260 : vector<256xf32> to vector<256x1xf32>
    %eq3A_262 = vector.broadcast %broadcast_in_dim3A_261 : vector<256x1xf32> to vector<256x4096xf32>
    %eq3A_263 = arith.cmpf oeq, %select_n3A_258, %eq3A_262 : vector<256x4096xf32>
    %jit3A_264 = arith.constant -3.1691265E+29 : f32
    %broadcast_in_dim3A_265 = vector.broadcast %jit3A_264 : f32 to vector<256x4096xf32>
    %select_n3A_266 = arith.select %eq3A_263, %broadcast_in_dim3A_265, %select_n3A_250 : vector<256x4096xi1>, vector<256x4096xf32>
    %reduce_max3A_267 = arith.constant dense<0xFF800000> : vector<256xf32>
    %reduce_max3A_268 = vector.multi_reduction <maximumf>, %select_n3A_266, %reduce_max3A_267 [1] : vector<256x4096xf32> to vector<256xf32>
    %broadcast_in_dim3A_269 = vector.shape_cast %reduce_max3A_268 : vector<256xf32> to vector<256x1xf32>
    %eq3A_270 = vector.broadcast %broadcast_in_dim3A_269 : vector<256x1xf32> to vector<256x4096xf32>
    %eq3A_271 = arith.cmpf oeq, %select_n3A_266, %eq3A_270 : vector<256x4096xf32>
    %jit3A_272 = arith.constant 4.096000e+03 : f32
    %broadcast_in_dim3A_273 = vector.broadcast %jit3A_272 : f32 to vector<256x4096xf32>
    %select_n3A_274 = arith.select %eq3A_271, %convert_element_type3A_28, %broadcast_in_dim3A_273 : vector<256x4096xi1>, vector<256x4096xf32>
    %reduce_min3A_275 = arith.constant dense<0x7F800000> : vector<256xf32>
    %reduce_min3A_276 = vector.multi_reduction <minimumf>, %select_n3A_274, %reduce_min3A_275 [1] : vector<256x4096xf32> to vector<256xf32>
    %broadcast_in_dim3A_277 = vector.shape_cast %reduce_min3A_276 : vector<256xf32> to vector<256x1xf32>
    %eq3A_278 = vector.broadcast %broadcast_in_dim3A_277 : vector<256x1xf32> to vector<256x4096xf32>
    %eq3A_279 = arith.cmpf oeq, %select_n3A_274, %eq3A_278 : vector<256x4096xf32>
    %jit3A_280 = arith.constant -3.10131407E+29 : f32
    %broadcast_in_dim3A_281 = vector.broadcast %jit3A_280 : f32 to vector<256x4096xf32>
    %select_n3A_282 = arith.select %eq3A_279, %broadcast_in_dim3A_281, %select_n3A_266 : vector<256x4096xi1>, vector<256x4096xf32>
    %reduce_max3A_283 = arith.constant dense<0xFF800000> : vector<256xf32>
    %reduce_max3A_284 = vector.multi_reduction <maximumf>, %select_n3A_282, %reduce_max3A_283 [1] : vector<256x4096xf32> to vector<256xf32>
    %broadcast_in_dim3A_285 = vector.shape_cast %reduce_max3A_284 : vector<256xf32> to vector<256x1xf32>
    %eq3A_286 = vector.broadcast %broadcast_in_dim3A_285 : vector<256x1xf32> to vector<256x4096xf32>
    %eq3A_287 = arith.cmpf oeq, %select_n3A_282, %eq3A_286 : vector<256x4096xf32>
    %jit3A_288 = arith.constant 4.096000e+03 : f32
    %broadcast_in_dim3A_289 = vector.broadcast %jit3A_288 : f32 to vector<256x4096xf32>
    %select_n3A_290 = arith.select %eq3A_287, %convert_element_type3A_28, %broadcast_in_dim3A_289 : vector<256x4096xi1>, vector<256x4096xf32>
    %reduce_min3A_291 = arith.constant dense<0x7F800000> : vector<256xf32>
    %reduce_min3A_292 = vector.multi_reduction <minimumf>, %select_n3A_290, %reduce_min3A_291 [1] : vector<256x4096xf32> to vector<256xf32>
    %broadcast_in_dim3A_293 = vector.shape_cast %reduce_min3A_292 : vector<256xf32> to vector<256x1xf32>
    %eq3A_294 = vector.broadcast %broadcast_in_dim3A_293 : vector<256x1xf32> to vector<256x4096xf32>
    %eq3A_295 = arith.cmpf oeq, %select_n3A_290, %eq3A_294 : vector<256x4096xf32>
    %jit3A_296 = arith.constant -3.03998413E+29 : f32
    %broadcast_in_dim3A_297 = vector.broadcast %jit3A_296 : f32 to vector<256x4096xf32>
    %select_n3A_298 = arith.select %eq3A_295, %broadcast_in_dim3A_297, %select_n3A_282 : vector<256x4096xi1>, vector<256x4096xf32>
    %reduce_max3A_299 = arith.constant dense<0xFF800000> : vector<256xf32>
    %reduce_max3A_300 = vector.multi_reduction <maximumf>, %select_n3A_298, %reduce_max3A_299 [1] : vector<256x4096xf32> to vector<256xf32>
    %broadcast_in_dim3A_301 = vector.shape_cast %reduce_max3A_300 : vector<256xf32> to vector<256x1xf32>
    %eq3A_302 = vector.broadcast %broadcast_in_dim3A_301 : vector<256x1xf32> to vector<256x4096xf32>
    %eq3A_303 = arith.cmpf oeq, %select_n3A_298, %eq3A_302 : vector<256x4096xf32>
    %jit3A_304 = arith.constant 4.096000e+03 : f32
    %broadcast_in_dim3A_305 = vector.broadcast %jit3A_304 : f32 to vector<256x4096xf32>
    %select_n3A_306 = arith.select %eq3A_303, %convert_element_type3A_28, %broadcast_in_dim3A_305 : vector<256x4096xi1>, vector<256x4096xf32>
    %reduce_min3A_307 = arith.constant dense<0x7F800000> : vector<256xf32>
    %reduce_min3A_308 = vector.multi_reduction <minimumf>, %select_n3A_306, %reduce_min3A_307 [1] : vector<256x4096xf32> to vector<256xf32>
    %broadcast_in_dim3A_309 = vector.shape_cast %reduce_min3A_308 : vector<256xf32> to vector<256x1xf32>
    %eq3A_310 = vector.broadcast %broadcast_in_dim3A_309 : vector<256x1xf32> to vector<256x4096xf32>
    %eq3A_311 = arith.cmpf oeq, %select_n3A_306, %eq3A_310 : vector<256x4096xf32>
    %jit3A_312 = arith.constant -2.98416255E+29 : f32
    %broadcast_in_dim3A_313 = vector.broadcast %jit3A_312 : f32 to vector<256x4096xf32>
    %select_n3A_314 = arith.select %eq3A_311, %broadcast_in_dim3A_313, %select_n3A_298 : vector<256x4096xi1>, vector<256x4096xf32>
    %reduce_max3A_315 = arith.constant dense<0xFF800000> : vector<256xf32>
    %reduce_max3A_316 = vector.multi_reduction <maximumf>, %select_n3A_314, %reduce_max3A_315 [1] : vector<256x4096xf32> to vector<256xf32>
    %broadcast_in_dim3A_317 = vector.shape_cast %reduce_max3A_316 : vector<256xf32> to vector<256x1xf32>
    %eq3A_318 = vector.broadcast %broadcast_in_dim3A_317 : vector<256x1xf32> to vector<256x4096xf32>
    %eq3A_319 = arith.cmpf oeq, %select_n3A_314, %eq3A_318 : vector<256x4096xf32>
    %jit3A_320 = arith.constant 4.096000e+03 : f32
    %broadcast_in_dim3A_321 = vector.broadcast %jit3A_320 : f32 to vector<256x4096xf32>
    %select_n3A_322 = arith.select %eq3A_319, %convert_element_type3A_28, %broadcast_in_dim3A_321 : vector<256x4096xi1>, vector<256x4096xf32>
    %reduce_min3A_323 = arith.constant dense<0x7F800000> : vector<256xf32>
    %reduce_min3A_324 = vector.multi_reduction <minimumf>, %select_n3A_322, %reduce_min3A_323 [1] : vector<256x4096xf32> to vector<256xf32>
    %broadcast_in_dim3A_325 = vector.shape_cast %reduce_min3A_324 : vector<256xf32> to vector<256x1xf32>
    %eq3A_326 = vector.broadcast %broadcast_in_dim3A_325 : vector<256x1xf32> to vector<256x4096xf32>
    %eq3A_327 = arith.cmpf oeq, %select_n3A_322, %eq3A_326 : vector<256x4096xf32>
    %jit3A_328 = arith.constant -2.9330673E+29 : f32
    %broadcast_in_dim3A_329 = vector.broadcast %jit3A_328 : f32 to vector<256x4096xf32>
    %select_n3A_330 = arith.select %eq3A_327, %broadcast_in_dim3A_329, %select_n3A_314 : vector<256x4096xi1>, vector<256x4096xf32>
    %reduce_max3A_331 = arith.constant dense<0xFF800000> : vector<256xf32>
    %reduce_max3A_332 = vector.multi_reduction <maximumf>, %select_n3A_330, %reduce_max3A_331 [1] : vector<256x4096xf32> to vector<256xf32>
    %broadcast_in_dim3A_333 = vector.shape_cast %reduce_max3A_332 : vector<256xf32> to vector<256x1xf32>
    %eq3A_334 = vector.broadcast %broadcast_in_dim3A_333 : vector<256x1xf32> to vector<256x4096xf32>
    %eq3A_335 = arith.cmpf oeq, %select_n3A_330, %eq3A_334 : vector<256x4096xf32>
    %jit3A_336 = arith.constant 4.096000e+03 : f32
    %broadcast_in_dim3A_337 = vector.broadcast %jit3A_336 : f32 to vector<256x4096xf32>
    %select_n3A_338 = arith.select %eq3A_335, %convert_element_type3A_28, %broadcast_in_dim3A_337 : vector<256x4096xi1>, vector<256x4096xf32>
    %reduce_min3A_339 = arith.constant dense<0x7F800000> : vector<256xf32>
    %reduce_min3A_340 = vector.multi_reduction <minimumf>, %select_n3A_338, %reduce_min3A_339 [1] : vector<256x4096xf32> to vector<256xf32>
    %broadcast_in_dim3A_341 = vector.shape_cast %reduce_min3A_340 : vector<256xf32> to vector<256x1xf32>
    %eq3A_342 = vector.broadcast %broadcast_in_dim3A_341 : vector<256x1xf32> to vector<256x4096xf32>
    %eq3A_343 = arith.cmpf oeq, %select_n3A_338, %eq3A_342 : vector<256x4096xf32>
    %jit3A_344 = arith.constant -2.88606332E+29 : f32
    %broadcast_in_dim3A_345 = vector.broadcast %jit3A_344 : f32 to vector<256x4096xf32>
    %select_n3A_346 = arith.select %eq3A_343, %broadcast_in_dim3A_345, %select_n3A_330 : vector<256x4096xi1>, vector<256x4096xf32>
    %le3A = arith.constant -1.000000e+20 : f32
    %le3A_347 = vector.broadcast %le3A : f32 to vector<256x4096xf32>
    %le3A_348 = arith.cmpf ole, %select_n3A_346, %le3A_347 : vector<256x4096xf32>
    %mul3A = arith.constant -7.88860905E-31 : f32
    %mul3A_349 = vector.broadcast %mul3A : f32 to vector<256x4096xf32>
    %mul3A_350 = arith.mulf %select_n3A_346, %mul3A_349 : vector<256x4096xf32>
    %jit3A_351 = arith.constant 0.000000e+00 : f32
    %broadcast_in_dim3A_352 = vector.broadcast %jit3A_351 : f32 to vector<256x4096xf32>
    %select_n3A_353 = arith.select %le3A_348, %mul3A_350, %broadcast_in_dim3A_352 : vector<256x4096xi1>, vector<256x4096xf32>
    %reduce_sum3A_354 = arith.constant dense<0.000000e+00> : vector<4096xf32>
    %reduce_sum3A_355 = vector.multi_reduction <add>, %select_n3A_353, %reduce_sum3A_354 [0] : vector<256x4096xf32> to vector<4096xf32>
    %broadcast_in_dim3A_356 = vector.shape_cast %reduce_sum3A_355 : vector<4096xf32> to vector<1x4096xf32>
    %eq3A_357 = arith.constant 0 : i32
    %eq3A_358 = arith.cmpi eq, %arg0, %eq3A_357 : i32
    %convert_element_type3A_359 = arith.extui %eq3A_358 : i1 to i32
    %cond3A_360 = arith.constant 0 : i32
    %cond3A_361 = arith.cmpi ne, %convert_element_type3A_359, %cond3A_360 : i32
    scf.if %cond3A_361 {
      %swap3A_371 = arith.constant 0 : index
      %swap3A_372 = arith.constant 0 : index
      %swap3A_373 = vector.load %arg3[%swap3A_371, %swap3A_372] : memref<1x4096xf32, #tpu.memory_space<vmem>>, vector<1x4096xf32>
      tpu.vector_store %arg3[%swap3A_371, %swap3A_372], %broadcast_in_dim3A_356 {strides = array<i32>} : memref<1x4096xf32, #tpu.memory_space<vmem>>, vector<1x4096xf32>,
    } else {
    }
    %ne3A = arith.constant 0 : i32
    %ne3A_362 = arith.cmpi ne, %arg0, %ne3A : i32
    %convert_element_type3A_363 = arith.extui %ne3A_362 : i1 to i32
    %cond3A_364 = arith.constant 0 : i32
    %cond3A_365 = arith.cmpi ne, %convert_element_type3A_363, %cond3A_364 : i32
    scf.if %cond3A_365 {
      %get3A_371 = arith.constant 0 : index
      %get3A_372 = arith.constant 0 : index
      %get3A_373 = vector.load %arg3[%get3A_371, %get3A_372] : memref<1x4096xf32, #tpu.memory_space<vmem>>, vector<1x4096xf32>
      %add3A_374 = arith.addf %get3A_373, %broadcast_in_dim3A_356 : vector<1x4096xf32>
      %swap3A_375 = arith.constant 0 : index
      %swap3A_376 = arith.constant 0 : index
      %swap3A_377 = vector.load %arg3[%swap3A_375, %swap3A_376] : memref<1x4096xf32, #tpu.memory_space<vmem>>, vector<1x4096xf32>
      tpu.vector_store %arg3[%swap3A_375, %swap3A_376], %add3A_374 {strides = array<i32>} : memref<1x4096xf32, #tpu.memory_space<vmem>>, vector<1x4096xf32>,
    } else {
    }
    %eq3A_366 = arith.constant 3 : i32
    %eq3A_367 = arith.cmpi eq, %arg0, %eq3A_366 : i32
    %convert_element_type3A_368 = arith.extui %eq3A_367 : i1 to i32
    %cond3A_369 = arith.constant 0 : i32
    %cond3A_370 = arith.cmpi ne, %convert_element_type3A_368, %cond3A_369 : i32
    scf.if %cond3A_370 {
      %broadcast_in_dim3A_371 = arith.constant 9.765625E-4 : f32
      %broadcast_in_dim3A_372 = vector.broadcast %broadcast_in_dim3A_371 : f32 to vector<1x1xf32>
      %get3A_373 = arith.constant 0 : index
      %get3A_374 = memref.load %arg6[%get3A_373] : memref<1xf32, #tpu.memory_space<smem>>
      %mul3A_375 = vector.broadcast %get3A_374 : f32 to vector<1x1xf32>
      %mul3A_376 = arith.mulf %broadcast_in_dim3A_372, %mul3A_375 : vector<1x1xf32>
      %swap3A_377 = arith.constant 0 : index
      %swap3A_378 = arith.constant 0 : index
      %swap3A_379 = vector.load %arg5[%swap3A_377, %swap3A_378] : memref<1x1xf32, #tpu.memory_space<vmem>>, vector<1x1xf32>
      tpu.vector_store %arg5[%swap3A_377, %swap3A_378], %mul3A_376 {strides = array<i32>} : memref<1x1xf32, #tpu.memory_space<vmem>>, vector<1x1xf32>,
    } else {
    }
    return
  }
  func.func @transform_0(%arg0: i32) -> (i32, i32) {
    %c0_i32 = arith.constant 0 : i32
    %c0_i32_0 = arith.constant 0 : i32
    return %arg0, %c0_i32 : i32, i32
  }
  func.func @transform_1(%arg0: i32) -> (i32, i32) {
    %c0_i32 = arith.constant 0 : i32
    %c0_i32_0 = arith.constant 0 : i32
    return %arg0, %c0_i32 : i32, i32
  }
  func.func @transform_2(%arg0: i32) -> (i32, i32) {
    %c0_i32 = arith.constant 0 : i32
    %c0_i32_0 = arith.constant 0 : i32
    %c0_i32_1 = arith.constant 0 : i32
    return %c0_i32, %c0_i32_0 : i32, i32
  }
  func.func @transform_3(%arg0: i32) -> (i32, i32) {
    %c0_i32 = arith.constant 0 : i32
    %c0_i32_0 = arith.constant 0 : i32
    return %arg0, %c0_i32 : i32, i32
  }
  func.func @transform_4(%arg0: i32) -> (i32, i32) {
    %c0_i32 = arith.constant 0 : i32
    %c0_i32_0 = arith.constant 0 : i32
    %c0_i32_1 = arith.constant 0 : i32
    return %c0_i32, %c0_i32_0 : i32, i32
  }
}

</mosaic_0001>

<sc_bundles>
// kernel: kernel.5.cloned.1.call-start
scs
__scs_entry_jumppad:
0x0: {  	(pc) =	sbr.rel $0x88, $3  }
0x1: {  	(tag) =	ssettag $0x0;
	lr =	simm.s32 $0x1  }
0x2: {  	[smem:$0x3F90] =	sst lr;
	_ =	strace $0xD0000000  }
0x3: {  	_ = 	snop  }
0x4: {  	_ = 	snop  }
0x5: {  	_ = 	snop  }
0x6: {  	_ = 	snop  }
0x7: {  	_ = 	snop  }
__scs_overlays_trampoline_lowered:
0x8: {  	[smem:$0x3F9F] =	sst s0  }
0x9: {  	[smem:$0x3FA0] =	sst s1  }
0xa: {  	[smem:$0x3FA1] =	sst s2  }
0xb: {  	[smem:$0x3FA2] =	sst s3  }
0xc: {  	[smem:$0x3FA3] =	sst s4  }
0xd: {  	[smem:$0x3FA4] =	sst s5  }
0xe: {  	[smem:$0x3FA5] =	sst s6  }
0xf: {  	[smem:$0x3FA6] =	sst s7  }
0x10: {  	[smem:$0x3FA7] =	sst s8  }
0x11: {  	[smem:$0x3FA8] =	sst s9;
	s0 =	simm.s32 @!p0 $0x0  }
0x12: {  	s1 =	sld [smem:$0x3F8E];
	s0 =	simm.s32 @p0 $0x1  }
0x13: {  	[smem:$0x3FA9] =	sst s0;
	s0 =	simm.s32 @!p1 $0x0  }
0x14: {  	s2 =	sld [smem:$0x3F8D];
	s0 =	simm.s32 @p1 $0x1  }
0x15: {  	[smem:$0x3FAA] =	sst s0;
	s0 =	simm.s32 @!p2 $0x0  }
0x16: {  	s3 =	sld [smem:$0x3FDB];
	s0 =	simm.s32 @p2 $0x1  }
0x17: {  	s4 =	simm.s32 $0x1BF5;
	[smem:$0x3FAC] =	sst s0  }
0x18: {  	s0 =	sld [smem:$0x3F8F];
	_ =	swait.ge [sflag:s4], $0x0  }
0x19: {  	s7 =	sld [smem:$0x3F90]  }
0x1a: {  	s8 =	sadd.s32 $0xFFFFE003, lr  }
0x1b: {  	s9 =	sadd.s32 $0xFFFFFEF7, lr;
	s5 =	simm.s32 $0xFFFFFFFF;
	p2 =	slt.u32 s8, $0xFFFFF086  }
0x1c: {  	p1 =	slt.u32 s9, $0xF7A;
	s5 =	simm.s32 @!p2 $0x0  }
0x1d: {  	s5 =	simm.s32 @p1 $0x1;
	p0 =	seq.s32 s7, s2  }
0x1e: {  	s7 =	smul.u32 @!p0 $0xF7A, s2;
	p2 =	seq.s32 @!p0 s5, $0x0  }
0x1f: {  	s9 =	smul.u32 $0xF7A, s1;
	s8 =	simm.s32 @!p0 $0x1BF5;
	p2 =	por !p2, p0  }
0x20: {  	[sflag:s8] =	ssyncset.s32 @!p0 $0xFFFFF086;
	s6 =	sadd.s32 @!p0 s3, s7;
	s7 =	simm.s32 @!p0 $0x108  }
0x21: {  	s3 =	sadd.s32 s3, s9;
	s6 =	sadd.s32 @!p0 $0x88, s6;
	s7 =	simm.s32 @p2 $0x1082  }
0x22: {  	[simem:s7], [sflag:s8] =	dma.local @!p0 [hbm:s6], $0xF7A  }
0x23: {  	s9 =	sor.u32 $0xD0000000, s2;
	s6 =	simm.s32 $0x108;
	_ =	swait.ge @!p0 [sflag:s8], $0x0  }
0x24: {  	s3 =	sadd.s32 $0x88, s3;
	s6 =	simm.s32 @!p1 $0x1082;
	[sflag:s4] =	ssyncset.s32 $0xFFFFF086  }
0x25: {  	[simem:s6], [sflag:s4] =	dma.local [hbm:s3], $0xF7A  }
0x26: {  	[smem:$0x3F90] =	sst s1;
	(tag) =	ssettag s2;
	_ =	strace s9  }
0x27: {  	s1 =	sld [smem:$0x3FA0]  }
0x28: {  	s2 =	sld [smem:$0x3FA1]  }
0x29: {  	s4 =	sld [smem:$0x3FA3]  }
0x2a: {  	p0 =	seq.s32 s5, $0x0;
	s5 =	sld [smem:$0x3FA4]  }
0x2b: {  	s6 =	sld [smem:$0x3FA5]  }
0x2c: {  	s7 =	sld [smem:$0x3FA6]  }
0x2d: {  	s3 =	simm.s32 $0x108;
	s8 =	sld [smem:$0x3FA7]  }
0x2e: {  	s3 =	simm.s32 @!p0 $0x1082;
	s9 =	sld [smem:$0x3FA8]  }
0x2f: {  	lr =	sadd.s32 s0, s3;
	s0 =	sld [smem:$0x3F9F]  }
0x30: {  	s3 =	sld [smem:$0x3FA2]  }
0x31: {  	[smem:$0x3FAB] =	sst s10  }
0x32: {  	s10 =	sld [smem:$0x3FA9];
	_ =	sdelay $0x3  }
0x33: {  	p0 =	seq.s32 s10, $0x1;
	s10 =	sld [smem:$0x3FAB];
	_ =	sdelay $0x3  }
0x34: {  	[smem:$0x3FAB] =	sst s10  }
0x35: {  	s10 =	sld [smem:$0x3FAA];
	_ =	sdelay $0x3  }
0x36: {  	p1 =	seq.s32 s10, $0x1;
	s10 =	sld [smem:$0x3FAB];
	_ =	sdelay $0x3  }
0x37: {  	[smem:$0x3FAB] =	sst s10  }
0x38: {  	s10 =	sld [smem:$0x3FAC]  }
0x39: {  	_ = 	snop;
	(pc) =	sbr.ind lr, $3  }
0x3a: {  	_ = 	snop  }
0x3b: {  	_ = 	snop  }
0x3c: {  	p2 =	seq.s32 s10, $0x1;
	s10 =	sld [smem:$0x3FAB]  }
0x3d: {  	_ =	shalt  }
0x3e: {  	_ =	shalt  }
0x3f: {  	_ =	shalt  }
0x40: {  	_ =	shalt  }
0x41: {  	_ =	shalt  }
0x42: {  	_ =	shalt  }
0x43: {  	_ =	shalt  }
0x44: {  	_ =	shalt  }
0x45: {  	_ =	shalt  }
0x46: {  	_ =	shalt  }
0x47: {  	_ =	shalt  }
0x48: {  	_ =	shalt  }
0x49: {  	_ =	shalt  }
0x4a: {  	_ =	shalt  }
0x4b: {  	_ =	shalt  }
0x4c: {  	_ =	shalt  }
0x4d: {  	_ =	shalt  }
0x4e: {  	_ =	shalt  }
0x4f: {  	_ =	shalt  }
0x50: {  	_ =	shalt  }
0x51: {  	_ =	shalt  }
0x52: {  	_ =	shalt  }
0x53: {  	_ =	shalt  }
0x54: {  	_ =	shalt  }
0x55: {  	_ =	shalt  }
0x56: {  	_ =	shalt  }
0x57: {  	_ =	shalt  }
0x58: {  	_ =	shalt  }
0x59: {  	_ =	shalt  }
0x5a: {  	_ =	shalt  }
0x5b: {  	_ =	shalt  }
0x5c: {  	_ =	shalt  }
0x5d: {  	_ =	shalt  }
0x5e: {  	_ =	shalt  }
0x5f: {  	_ =	shalt  }
0x60: {  	_ =	shalt  }
0x61: {  	_ =	shalt  }
0x62: {  	_ =	shalt  }
0x63: {  	_ =	shalt  }
0x64: {  	_ =	shalt  }
0x65: {  	_ =	shalt  }
0x66: {  	_ =	shalt  }
0x67: {  	_ =	shalt  }
0x68: {  	_ =	shalt  }
0x69: {  	_ =	shalt  }
0x6a: {  	_ =	shalt  }
0x6b: {  	_ =	shalt  }
0x6c: {  	_ =	shalt  }
0x6d: {  	_ =	shalt  }
0x6e: {  	_ =	shalt  }
0x6f: {  	_ =	shalt  }
0x70: {  	_ =	shalt  }
0x71: {  	_ =	shalt  }
0x72: {  	_ =	shalt  }
0x73: {  	_ =	shalt  }
0x74: {  	_ =	shalt  }
0x75: {  	_ =	shalt  }
0x76: {  	_ =	shalt  }
0x77: {  	_ =	shalt  }
0x78: {  	_ =	shalt  }
0x79: {  	_ =	shalt  }
0x7a: {  	_ =	shalt  }
0x7b: {  	_ =	shalt  }
0x7c: {  	_ =	shalt  }
0x7d: {  	_ =	shalt  }
0x7e: {  	_ =	shalt  }
0x7f: {  	_ =	shalt  }
0x80: {  	_ =	shalt  }
0x81: {  	_ =	shalt  }
0x82: {  	_ =	shalt  }
0x83: {  	_ =	shalt  }
0x84: {  	_ =	shalt  }
0x85: {  	_ =	shalt  }
0x86: {  	_ =	shalt  }
0x87: {  	_ =	shalt  }
.Lfunc_end0:
.L_simem_size_0:
called_computation_lowered:
.L_overlay_start_0:
0x88: {  	s2 =	sld [smem:$0x3FD9]  }
0x89: {  	s3 =	sld [smem:$0x3FFE];
	_ =	sdelay $0x1  }
0x8a: {  	s1 =	srdreg.scid  }
0x8b: {  	s0 =	sand.u32 $0x1, s1  }
0x8c: {  	s15 =	sshll.u32 s0, $0xA;
	s2 =	sadd.s32 s3, s2  }
0x8d: {  	s2 =	sadd.s32 s2, s15  }
0x8e: {  	[smem:$0x3FB7] =	sst s2  }
0x8f: {  	_ = 	snop  }
0x90: {  	s2 =	sld [smem:$0x3FD0];
	_ =	sdelay $0x2  }
0x91: {  	s4 =	simm.s32 $0xA;
	s5 =	simm.s32 $0x10;
	s16 =	sld [smem:$0x3FB9]  }
0x92: {  	[smem:s5], [sflag:s4] =	dma.local [hbm:s2], $0x1  }
0x93: {  	_ =	swait.eq [sflag:s4], $0x1  }
0x94: {  	[sflag:s4] =	ssyncset.done $0x0  }
0x95: {  	s17 =	sld [smem:$0x11];
	[sflag:s4] =	ssyncadd.s32 $0xFFFFFFFF  }
0x96: {  	s18 =	sld [smem:$0x13];
	(tm) =	ssettm $0x1  }
0x97: {  	s19 =	sld [smem:$0x3FFB];
	_ =	sdelay $0x3  }
0x98: {  	_ =	strace s19  }
0x99: {  	s5 =	sld [smem:$0x3FFC];
	_ =	sdelay $0x3  }
0x9a: {  	_ =	strace s5  }
0x9b: {  	s5 =	sld [smem:$0x3FFD];
	_ =	sdelay $0x3  }
0x9c: {  	_ =	strace s5  }
0x9d: {  	_ =	strace $0x8FFFFFFF  }
0x9e: {  	s20 =	sld [smem:$0x3FDB];
	_ =	sdelay $0x1  }
0x9f: {  	s6 =	simm.s32 $_scs_section_size  }
0xa0: {  	s7 =	simm.s32 $_size__tile_overlayer_lowered;
	s8 =	simm.s32 $_tile_overlayer_lowered  }
0xa1: {  	s23 =	simm.s32 $0x1BFF;
	s22 =	sshll.u32 s8, $0x1;
	s5 =	sadd.s32 s6, s20  }
0xa2: {  	s9 =	simm.s32 $0x0;
	s21 =	sshll.u32 s7, $0x1;
	s7 =	sadd.s32 s22, s5  }
0xa3: {  	[timem:s9], [sflag:s23] =	dma.local [hbm:s7], s21  }
0xa4: {  	_ =	swait.ge [sflag:s23], s21  }
0xa5: {  	s6 =	ssub.s32 $0x0, s21;
	[sflag:s23] =	ssyncset.done $0x0  }
0xa6: {  	[sflag:s23] =	ssyncadd.s32 s6;
	_ =	sdelay $0x1  }
0xa7: {  	s24 =	simm.s32 $0x1B8B  }
0xa8: {  	_ =	swait.ge [sflag:s24], $0x1  }
0xa9: {  	[sflag:s24] =	ssyncset.done $0x0  }
0xaa: {  	s25 =	simm.s32 $0x1B8E;
	[sflag:s24] =	ssyncadd.s32 $0xFFFFFFFF  }
0xab: {  	s26 =	simm.s32 $execute0_lowered;
	[smem:$0x3FD2] =	sst s25  }
0xac: {  	s6 =	sshll.u32 s26, $0x1;
	_ =	strace $0x80000046;
	[dreg:$0x1] =	wrdreg $0xFFFFFFFF  }
0xad: {  	s28 =	simm.s32 $_size_execute0_lowered;
	s5 =	sadd.s32 s5, s6;
	[dreg:$0x0] =	wrdreg $0x0  }
0xae: {  	s6 =	sshll.u32 s28, $0x1;
	[dreg:$0x2] =	wrdreg s5  }
0xaf: {  	[dreg:$0x3] =	wrdreg s6  }
0xb0: {  	[dreg:$0x4] =	wrdreg $0xC0  }
0xb1: {  	_ =	task [dreg:s9], $0x5FFFF  }
0xb2: {  	[dreg:$0x1] =	wrdreg $0xFFFFFFFF  }
0xb3: {  	[dreg:$0x0] =	wrdreg $0x60  }
0xb4: {  	[dreg:$0x2] =	wrdreg s18  }
0xb5: {  	[dreg:$0x3] =	wrdreg s16  }
0xb6: {  	[dreg:$0x4] =	wrdreg s17  }
0xb7: {  	[dreg:$0x5] =	wrdreg $0x9  }
0xb8: {  	_ =	task.clear_ibuf [dreg:s9], $0x6FFFF;
	_ =	strace $0x90000046  }
0xb9: {  	s29 =	simm.s32 $0x9;
	_ =	strace $0x80000048  }
0xba: {  	_ =	swait.ge [sflag:s29], $0x1  }
0xbb: {  	[sflag:s29] =	ssyncadd.s32 $0xFFFFFFFF  }
0xbc: {  	_ =	strace $0x90000048  }
0xbd: {  	_ =	sfence  }
0xbe: {  	s30 =	sld [smem:$0x0];
	_ =	sdelay $0x2  }
0xbf: {  	s31 =	sshll.u32 s1, $0xD;
	s1 =	sshrl.u32 s1, $0x2  }
0xc0: {  	s3 =	sand.u32 $0x4000, s31;
	s1 =	sadd.s32 s1, s30  }
0xc1: {  	s0 =	sor.u32 s3, s0;
	s1 =	sshll.u32 s1, $0x11  }
0xc2: {  	s0 =	sor.u32 s1, s0  }
0xc3: {  	s0 =	sadd.s32 $0x8F2B, s0  }
0xc4: {  	[sflag:s0] =	ssyncadd.remote.s32 $0x1  }
0xc5: {  	_ =	sfence.sel $0xFFFF  }
0xc6: {  	[dreg:$0x0] =	wrdreg $0xFFFFFFFF;
	(pc) =	sbr.abs _section_cstart, $3  }
0xc7: {  	[dreg:$0x1] =	wrdreg $0xFFFFFFFF  }
0xc8: {  	_ =	task.clear_ibuf [dreg:s9], $0x2FFFF;
	_ =	strace $0x9FFFFFFF  }
0xc9: {  	(tm) =	ssettm $0x7FFFFFFF  }
tec
execute0_lowered:
.L_overlay_start_1:
0x0: {  	(tag) =	ssettag $0x1  }
0x1: {  	s0 =	srdreg.scid  }
0x2: {  	s5 =	sand.u32 $0x1, s0;
	s0 =	stileid.u32  }
0x3: {  	s6 =	sshll.u32 s0, $0x1;
	s7 =	ssub.s32 $0x0, s5  }
0x4: {  	p0 =	sne.s32 s6, s7  }
.Ltmp0:
0x5: {  	_ = 	snop;
	(pc) =	sbr.rel @p0 .LBB2_7-.Ltmp0, $4  }
0x6: {  	s1 =	rddreg [dreg:$0x0]  }
0x7: {  	s3 =	rddreg [dreg:$0x1]  }
0x8: {  	s4 =	rddreg [dreg:$0x2]  }
0x9: {  	s2 =	rddreg [dreg:$0x3];
	_ =	strace $0x80000047  }
0xa: {  	s5 =	ssub.s32 $0x2, s5;
	s7 =	simm.s32 $0x1  }
0xb: {  	s8 =	simm.s32 $0x1000;
	s9 =	simm.s32 $0x2000;
	s6 =	sshrl.u32 s5, $0x1  }
0xc: {  	s10 =	simm.s32 $0x2080;
	s11 =	simm.s32 $0x2100;
	s5 =	ssub.s32 s5, s6  }
0xd: {  	v0 =	vimm.f32 $0.0e+00;
	v1 =	vimm.f32 $1.000000000e+00;
	s12 =	simm.s32 $0x0;
	s6 =	simm.s32 $0x0;
	s5 =	smax.u32 s5, $0x1  }
.LBB2_2:
0xe: {  	[tilespmem:s6], [sflag:$0x1] =	stream.linear.gather [hbm4b:s3+s6], $0x1000, $0x38;
	[tilespmem:$0x3100] =	vst v63  }
0xf: {  	_ =	swait.ge [sflag:s7], $0x1000  }
0x10: {  	[sflag:s7] =	ssyncset.done $0x0  }
0x11: {  	[sflag:s7] =	ssyncadd.s32 $0xFFFFF000  }
0x12: {  	[tilespmem:s8], [sflag:$0x1] =	stream.linear.gather [hbm4b:s1+s6], $0x1000, $0x38;
	[tilespmem:$0x3100] =	vst v63  }
0x13: {  	_ =	swait.ge [sflag:s7], $0x1000  }
0x14: {  	[sflag:s7] =	ssyncset.done $0x0  }
0x15: {  	[sflag:s7] =	ssyncadd.s32 $0xFFFFF000  }
0x16: {  	[tilespmem:$0x2000] =	vst v0  }
0x17: {  	[tilespmem:$0x2080] =	vst v0  }
0x18: {  	[tilespmem:$0x2010] =	vst v0  }
0x19: {  	[tilespmem:$0x2090] =	vst v0  }
0x1a: {  	[tilespmem:$0x2020] =	vst v0  }
0x1b: {  	[tilespmem:$0x20A0] =	vst v0  }
0x1c: {  	[tilespmem:$0x2030] =	vst v0  }
0x1d: {  	s14 =	simm.s32 $0x0;
	[tilespmem:$0x20B0] =	vst v0  }
0x1e: {  	s13 =	simm.s32 $0x40;
	v2 =	vld [tilespmem:s14+$0x0]  }
.LBB2_3:
0x1f: {  	p0 =	sne.s32 s13, $0x3FC0;
	_ =	sdelay $0x1  }
0x20: {  	v3 =	vld [tilespmem:s14+$0x1000];
	_ =	sdelay $0x2  }
.Ltmp1:
0x21: {  	(pc) =	sbr.rel @p0 .LBB2_3-.Ltmp1, $4  }
0x22: {  	_ = 	snop  }
0x23: {  	[tilespmem:v2+s9+$0x0] =	vst.idx.add.f32.msk $0xffff, v3  }
0x24: {  	s14 =	sshra.s32 s13, $0x2;
	[tilespmem:v2+s10+$0x0] =	vst.idx.add.f32.msk $0xffff, v1  }
0x25: {  	s13 =	sadd.s32 $0x40, s13;
	v2 =	vld [tilespmem:s14+$0x0]  }
0x26: {  	_ =	sdelay $0x2  }
0x27: {  	v3 =	vld [tilespmem:s14+$0x1000];
	_ =	sdelay $0x4  }
0x28: {  	[tilespmem:v2+s9+$0x0] =	vst.idx.add.f32.msk $0xffff, v3  }
0x29: {  	[tilespmem:v2+s10+$0x0] =	vst.idx.add.f32.msk $0xffff, v1  }
0x2a: {  	v2 =	vld [tilespmem:$0x2080];
	_ =	sdelay $0x4  }
0x2b: {  	v2 =	vmax.f32 v2, $1.000000000e+00  }
0x2c: {  	(erf) = vrcp.f32 v2;
	_ =	sdelay $0x4  }
0x2d: {  	v2 =	vld [tilespmem:$0x2000];
	_ =	sdelay $0x3  }
0x2e: {  	v3 =	vpop (erf)  }
0x2f: {  	v2 =	vmul.f32 v3, v2;
	v3 =	vld [tilespmem:$0x2090];
	_ =	sdelay $0x1  }
0x30: {  	v2 =	vadd.f32 $9.999999930e-09, v2;
	_ =	sdelay $0x1  }
0x31: {  	v2 =	vmax.f32 v2, $9.999999930e-09  }
0x32: {  	(erf) = vrcp.f32 v2;
	v2 =	vmax.f32 v3, $1.000000000e+00  }
0x33: {  	(erf) = vrcp.f32 v2;
	_ =	sdelay $0x4  }
0x34: {  	v2 =	vld [tilespmem:$0x2010];
	_ =	sdelay $0x2  }
0x35: {  	v3 =	vpop (erf)  }
0x36: {  	v4 =	vpop (erf)  }
0x37: {  	v2 =	vmul.f32 v4, v2;
	v4 =	vld [tilespmem:$0x20A0];
	_ =	sdelay $0x1  }
0x38: {  	v2 =	vadd.f32 $9.999999930e-09, v2;
	_ =	sdelay $0x1  }
0x39: {  	v2 =	vmax.f32 v2, $9.999999930e-09  }
0x3a: {  	(erf) = vrcp.f32 v2;
	v2 =	vmax.f32 v4, $1.000000000e+00  }
0x3b: {  	(erf) = vrcp.f32 v2;
	_ =	sdelay $0x4  }
0x3c: {  	v2 =	vld [tilespmem:$0x2020];
	_ =	sdelay $0x2  }
0x3d: {  	v4 =	vpop (erf)  }
0x3e: {  	v5 =	vpop (erf)  }
0x3f: {  	v2 =	vmul.f32 v5, v2;
	v5 =	vld [tilespmem:$0x20B0];
	_ =	sdelay $0x1  }
0x40: {  	v2 =	vadd.f32 $9.999999930e-09, v2;
	_ =	sdelay $0x1  }
0x41: {  	v2 =	vmax.f32 v2, $9.999999930e-09  }
0x42: {  	(erf) = vrcp.f32 v2;
	v2 =	vmax.f32 v5, $1.000000000e+00  }
0x43: {  	(erf) = vrcp.f32 v2;
	_ =	sdelay $0x4  }
0x44: {  	v2 =	vld [tilespmem:$0x2030];
	_ =	sdelay $0x2  }
0x45: {  	v5 =	vpop (erf)  }
0x46: {  	v6 =	vpop (erf)  }
0x47: {  	v2 =	vmul.f32 v6, v2;
	_ =	sdelay $0x1  }
0x48: {  	v2 =	vadd.f32 $9.999999930e-09, v2;
	_ =	sdelay $0x1  }
0x49: {  	v2 =	vmax.f32 v2, $9.999999930e-09  }
0x4a: {  	(erf) = vrcp.f32 v2;
	_ =	sdelay $0x3  }
0x4b: {  	v2 =	vadd.f32 $0.0e+00, v3;
	_ =	sdelay $0x1  }
0x4c: {  	v2 =	vadd.f32 v4, v2;
	_ =	sdelay $0x1  }
0x4d: {  	v2 =	vadd.f32 v5, v2  }
0x4e: {  	v61 =	vpop (erf)  }
0x4f: {  	v2 =	vadd.f32 v61, v2;
	_ =	sdelay $0x1  }
0x50: {  	(xrf2) =	vadd.scan.msk.f32 $0xffff, v2;
	_ =	sdelay $0x9  }
0x51: {  	v2, _, _ =	vpop (xrf2)  }
0x52: {  	v2 =	vmul.f32 $1.562500000e-02, v2;
	_ =	sdelay $0x1  }
0x53: {  	v2 =	vbroadcast v2, $0xF;
	_ =	sdelay $0x1  }
0x54: {  	(erf) = vrcp.f32 v2;
	_ =	sdelay $0x6  }
0x55: {  	v2 =	vld [tilespmem:$0x2080];
	_ =	sdelay $0x1  }
0x56: {  	v8 =	vld [tilespmem:$0x2090];
	v7 =	vpop (erf)  }
0x57: {  	v9 =	vmul.f32 v7, v3  }
0x58: {  	v10 =	vld [tilespmem:$0x20A0]  }
0x59: {  	v11 =	vmul.f32 v7, v4;
	v2 =	vmul.f32 v9, v2  }
0x5a: {  	v12 =	vld [tilespmem:$0x20B0]  }
0x5b: {  	v13 =	vmul.f32 v7, v5;
	v8 =	vmul.f32 v11, v8;
	v2 =	vadd.f32 $0.0e+00, v2;
	_ =	sdelay $0x1  }
0x5c: {  	v7 =	vmul.f32 v7, v61;
	v62 =	vmul.f32 v13, v10;
	v2 =	vadd.f32 v2, v8;
	_ =	sdelay $0x1  }
0x5d: {  	v63 =	vmul.f32 v7, v12;
	v2 =	vadd.f32 v2, v62;
	_ =	sdelay $0x1  }
0x5e: {  	v2 =	vadd.f32 v2, v63;
	_ =	sdelay $0x1  }
0x5f: {  	(xrf2) =	vadd.scan.msk.f32 $0xffff, v2;
	_ =	sdelay $0x7  }
0x60: {  	[tilespmem:$0x2000] =	vst v3  }
0x61: {  	[tilespmem:$0x2010] =	vst v4  }
0x62: {  	[tilespmem:$0x2020] =	vst v5;
	v2, _, _ =	vpop (xrf2)  }
0x63: {  	[tilespmem:$0x2030] =	vst v61;
	v2 =	vmul.f32 $2.441406250e-04, v2  }
0x64: {  	[tilespmem:$0x2000] =	vst v9  }
0x65: {  	[tilespmem:$0x2010] =	vst v11;
	v2 =	vbroadcast v2, $0xF  }
0x66: {  	[tilespmem:$0x2020] =	vst v13  }
0x67: {  	s13 =	simm.s32 $0x0;
	[tilespmem:$0x2030] =	vst v7;
	(erf) = vrcp.f32 v2  }
0x68: {  	v3 =	vld [tilespmem:s13+$0x0];
	_ =	sdelay $0x7  }
0x69: {  	s14 =	simm.s32 $0x10;
	s15 =	simm.s32 $0x80;
	v3 =	vld.idx.msk [tilespmem:v3+s9+$0x0], $0xffff;
	v2 =	vpop (erf)  }
.LBB2_5:
0x6a: {  	p0 =	sne.s32 s15, $0x3FC0;
	v4 =	vld [tilespmem:s14+$0x0];
	_ =	sdelay $0x3  }
.Ltmp2:
0x6b: {  	(pc) =	sbr.rel @p0 .LBB2_5-.Ltmp2, $3  }
0x6c: {  	v3 =	vmul.f32 v3, v2;
	_ =	sdelay $0x1  }
0x6d: {  	[tilespmem:s13+$0x2100] =	vst v3;
	s13 =	smov.u32 s14  }
0x6e: {  	s14 =	sshra.s32 s15, $0x2;
	s15 =	sadd.s32 $0x40, s15;
	v3 =	vld.idx.msk [tilespmem:v4+s9+$0x0], $0xffff  }
0x6f: {  	v4 =	vld [tilespmem:s14+$0x0];
	_ =	sdelay $0x4  }
0x70: {  	v3 =	vmul.f32 v3, v2;
	_ =	sdelay $0x1  }
0x71: {  	[tilespmem:s13+$0x2100] =	vst v3  }
0x72: {  	v3 =	vld.idx.msk [tilespmem:v4+s9+$0x0], $0xffff;
	_ =	sdelay $0x4  }
0x73: {  	s12 =	sadd.s32 $0x1, s12;
	v2 =	vmul.f32 v3, v2  }
0x74: {  	p0 =	sne.s32 s12, s5  }
.Ltmp3:
0x75: {  	[tilespmem:s14+$0x2100] =	vst v2;
	(pc) =	sbr.rel @p0 .LBB2_2-.Ltmp3, $4  }
0x76: {  	[hbm4b:s4+s6] =	stream.linear.scatter [tilespmem:s11], [sflag:$0x1], $0x1000, $0x38;
	[tilespmem:$0x3100] =	vst v63  }
0x77: {  	_ =	swait.ge [sflag:s7], $0x1000  }
0x78: {  	[sflag:s7] =	ssyncset.done $0x0  }
0x79: {  	[sflag:s7] =	ssyncadd.s32 $0xFFFFF000  }
.LBB2_7:
0x7a: {  	_ =	sfence.sel $0x180000  }
0x7b: {  	[bflag:$0x0] =	sbarrier.arrive $0xFFFF  }
0x7c: {  	p0 =	sne.s32 s0, $0x0;
	_ =	strace $0x90000047  }
0x7d: {  	s0 =	sadd.s32 @!p0 $0x100000, s2;
	[bflag:$0x2] =	sbarrier.arrive $0xFFFF  }
0x7e: {  	[sflag:s0] =	ssyncadd.tile.s32 @!p0 $0x1;
	_ =	shalt  }
.Lfunc_end2:
_tile_overlayer_lowered:
.L_overlay_start_2:
0x7f: {  	(tag) =	ssettag $0x2  }
0x80: {  	s0 =	rddreg [dreg:$0x0];
	s2 =	stileid.u32  }
0x81: {  	s1 =	rddreg [dreg:$0x1];
	p0 =	sne.s32 s2, $0x0  }
0x82: {  	s3 =	rddreg [dreg:$0x2];
	[bflag:$0x3] =	sbarrier.arrive $0xFFFF;
	s2 =	simm.s32 @!p0 $0x1C01  }
0x83: {  	[timem:s3], [sflag:s2] =	dma.local @!p0 [hbm:s0], s1  }
0x84: {  	s0 =	simm.s32 @!p0 $0x1  }
0x85: {  	_ =	swait.ge @!p0 [sflag:s0], s1  }
0x86: {  	s1 =	ssub.s32 @!p0 $0x0, s1;
	[sflag:s0] =	ssyncset.done @!p0 $0x0  }
0x87: {  	[sflag:s0] =	ssyncadd.s32 @!p0 s1  }
0x88: {  	[bflag:$0x3] =	sbarrier.arrive $0xFFFF  }
0x89: {  	_ =	shalt  }

</sc_bundles>
